<compile_context>
chip_gen: v7x
topology: tpu7x:2x2x1
jax: 0.10.2.dev20260603
libtpu: 0.0.44.dev20260713+nightly
codegen_flags: <defaults>
</compile_context>

<pallas_src>
import functools

import jax
import jax.numpy as jnp
from jax import lax
from jax.experimental import pallas as pl
from jax.experimental.pallas import tpu as pltpu

_TOPK = 4096
_NMAX = 32768
_THR = 0.05
_EPS = 1e-12


def _norm_kernel(m_ref, mn_ref):
    mm = m_ref[...]
    ss = mm[0, :] * mm[0, :]
    for i in range(1, 64):
        ss = ss + mm[i, :] * mm[i, :]
    denom = jnp.maximum(jnp.sqrt(ss), _EPS)
    mn_ref[...] = mm / denom[None, :]


def _cubic_w(t):
    a = -0.75
    t1 = t + 1.0
    t2 = 1.0 - t
    t3 = 2.0 - t
    w0 = a * t1 ** 3 - 5 * a * t1 ** 2 + 8 * a * t1 - 4 * a
    w1 = (a + 2) * t ** 3 - (a + 3) * t ** 2 + 1.0
    w2 = (a + 2) * t2 ** 3 - (a + 3) * t2 ** 2 + 1.0
    w3 = a * t3 ** 3 - 5 * a * t3 ** 2 + 8 * a * t3 - 4 * a
    return [w0, w1, w2, w3]


def _feats_kernel(x_ref, y_ref, s_ref, m_ref, sel_ref, out_ref):
    posx = x_ref[...]
    posy = y_ref[...]

    def coords(pos):
        g = 2.0 * pos / jnp.float32(639.0) - 1.0
        f = ((g + 1.0) * 80.0 - 1.0) / 2.0
        f0 = jnp.floor(f)
        return f0.astype(jnp.int32), f - f0

    x0, txp = coords(posx)
    y0, typ = coords(posy)
    wx = _cubic_w(txp)
    wy = _cubic_w(typ)

    io80 = lax.broadcasted_iota(jnp.int32, (512, 80), 1)
    wy_m = jnp.zeros((512, 80), jnp.float32)
    for dy in range(4):
        wy_m = wy_m + jnp.where(io80 == (y0 + (dy - 1)), wy[dy],
                                jnp.float32(0.0))

    g_big = jnp.dot(wy_m, m_ref[...],
                    preferred_element_type=jnp.float32,
                    precision=lax.Precision.HIGHEST)

    iolane = lax.broadcasted_iota(jnp.int32, (512, 5120), 1) // 64
    wx_m = jnp.zeros((512, 5120), jnp.float32)
    for dx in range(4):
        wx_m = wx_m + jnp.where(iolane == (x0 + (dx - 1)), wx[dx],
                                jnp.float32(0.0))

    z = g_big * wx_m
    feats = jnp.dot(z, sel_ref[...],
                    preferred_element_type=jnp.float32,
                    precision=lax.Precision.HIGHEST)

    nrm = jnp.sqrt(jnp.sum(feats * feats, axis=1, keepdims=True))
    feats = feats / jnp.maximum(nrm, jnp.float32(_EPS))

    out_ref[:, 0:1] = posx
    out_ref[:, 1:2] = posy
    out_ref[:, 2:3] = s_ref[...]
    out_ref[:, 3:67] = feats


def _ngrid(pos, H, W):
    return 2.0 * pos / jnp.array([W - 1, H - 1], dtype=pos.dtype) - 1.0


def _unn(g, size):
    return ((g + 1.0) * size - 1.0) / 2.0


def _g2d(img, iy, ix):
    Hin, Win = img.shape[1], img.shape[2]
    inb = (iy >= 0) & (iy < Hin) & (ix >= 0) & (ix < Win)
    iyc = jnp.clip(iy, 0, Hin - 1)
    ixc = jnp.clip(ix, 0, Win - 1)
    v = img[:, iyc, ixc]
    return v * inb[None, :].astype(img.dtype)


def _crd(img, pos, H, W):
    Hin, Win = img.shape[2], img.shape[3]
    g = _ngrid(pos.astype(img.dtype), H, W)
    ix = _unn(g[..., 0], Win)
    iy = _unn(g[..., 1], Hin)
    return ix, iy


def _gs_nearest(img, pos, H, W):
    ix, iy = _crd(img, pos, H, W)
    ixn = jnp.round(ix).astype(jnp.int32)
    iyn = jnp.round(iy).astype(jnp.int32)
    out = jax.vmap(_g2d)(img, iyn, ixn)
    return jnp.transpose(out, (0, 2, 1))


def _gs_bilinear(img, pos, H, W):
    ix, iy = _crd(img, pos, H, W)
    x0 = jnp.floor(ix)
    y0 = jnp.floor(iy)
    tx = (ix - x0)[:, None, :]
    ty = (iy - y0)[:, None, :]
    x0i = x0.astype(jnp.int32)
    y0i = y0.astype(jnp.int32)

    def samp(dy, dx):
        return jax.vmap(_g2d)(img, y0i + dy, x0i + dx)

    out = (samp(0, 0) * (1 - tx) * (1 - ty) + samp(0, 1) * tx * (1 - ty)
           + samp(1, 0) * (1 - tx) * ty + samp(1, 1) * tx * ty)
    return jnp.transpose(out, (0, 2, 1))


@functools.partial(jax.jit, static_argnums=())
def kernel(M1, K1, H1):
    M1r = M1.reshape(64, 6400)
    m1n = pl.pallas_call(
        _norm_kernel,
        out_shape=jax.ShapeDtypeStruct((64, 6400), jnp.float32),
    )(M1r)

    sc = jax.nn.softmax(K1, axis=1)[:, :64]
    B = sc.shape[0]
    Hc, Wc = sc.shape[2], sc.shape[3]
    hm = jnp.transpose(sc, (0, 2, 3, 1)).reshape(B, Hc, Wc, 8, 8)
    hm = jnp.transpose(hm, (0, 1, 3, 2, 4)).reshape(B, 1, Hc * 8, Wc * 8)
    lm = jax.lax.reduce_window(hm, -jnp.inf, jax.lax.max, (1, 1, 5, 5),
                               (1, 1, 1, 1),
                               ((0, 0), (0, 0), (2, 2), (2, 2)))
    mask = (hm == lm) & (hm > _THR)
    ys, xs = jnp.nonzero(mask[0, 0], size=_NMAX, fill_value=0)
    mkpts = jnp.stack([xs, ys], axis=-1)[None].astype(jnp.int32)
    mkf = mkpts.astype(jnp.float32)
    s_near = _gs_nearest(hm, mkf, 640, 640)
    s_bil = _gs_bilinear(H1, mkf, 640, 640)
    scores = (s_near * s_bil)[..., 0]
    scores = jnp.where(jnp.all(mkpts == 0, axis=-1), -1.0, scores)
    sc_top, idxs = lax.top_k(scores, _TOPK)
    mx = jnp.take_along_axis(mkpts[..., 0], idxs, axis=-1)
    my = jnp.take_along_axis(mkpts[..., 1], idxs, axis=-1)

    xi = mx.astype(jnp.float32).reshape(_TOPK, 1)
    yi = my.astype(jnp.float32).reshape(_TOPK, 1)
    st = sc_top.reshape(_TOPK, 1)

    m1nt = (m1n.reshape(64, 80, 80)
               .transpose(1, 2, 0)
               .reshape(80, 5120))
    io = jnp.arange(5120, dtype=jnp.int32)
    sel = (io[:, None] % 64 == jnp.arange(64, dtype=jnp.int32)[None, :])
    sel = sel.astype(jnp.float32)

    out = pl.pallas_call(
        _feats_kernel,
        grid=(8,),
        in_specs=[
            pl.BlockSpec((512, 1), lambda i: (i, 0)),
            pl.BlockSpec((512, 1), lambda i: (i, 0)),
            pl.BlockSpec((512, 1), lambda i: (i, 0)),
            pl.BlockSpec((80, 5120), lambda i: (0, 0)),
            pl.BlockSpec((5120, 64), lambda i: (0, 0)),
        ],
        out_specs=pl.BlockSpec((512, 67), lambda i: (i, 0)),
        out_shape=jax.ShapeDtypeStruct((_TOPK, 67), jnp.float32),
    )(xi, yi, st, m1nt, sel)

    return out.reshape(1, _TOPK, 67)

# --- scband reference (transcript-rebuilt; emitter-appended) ---
"""Pipeline reference for scband-xfeat-33904471835513 (READ-ONLY COPY).

The authoritative reference and input builder live on the scoring server;
editing this copy changes nothing except your own understanding.
"""

import jax, jax.numpy as jnp
import numpy as np

TOPK = 4096
NMAX = 32768
THR = 0.05
HFULL = 640
WFULL = 640


def setup_inputs(seed: int = 0):
    key = jax.random.key(seed)
    k1, k2, k3 = jax.random.split(key, 3)
    M1 = jax.random.normal(k1, (1, 64, 80, 80), dtype=jnp.float32)
    K1 = jax.random.normal(k2, (1, 65, 80, 80), dtype=jnp.float32)
    H1 = jax.random.uniform(k3, (1, 1, 80, 80), dtype=jnp.float32)
    return {"M1": M1, "K1": K1, "H1": H1}


def _normgrid(pos, H, W):
    return 2.0 * pos / jnp.array([W - 1, H - 1], dtype=pos.dtype) - 1.0


def _unnorm(g, size):
    return ((g + 1.0) * size - 1.0) / 2.0


def _gather2d(img, iy, ix):
    Hin, Win = img.shape[1], img.shape[2]
    inb = (iy >= 0) & (iy < Hin) & (ix >= 0) & (ix < Win)
    iyc = jnp.clip(iy, 0, Hin - 1)
    ixc = jnp.clip(ix, 0, Win - 1)
    v = img[:, iyc, ixc]
    return v * inb[None, :].astype(img.dtype)


def _coords(img, pos, H, W):
    Hin, Win = img.shape[2], img.shape[3]
    g = _normgrid(pos.astype(img.dtype), H, W)
    ix = _unnorm(g[..., 0], Win)
    iy = _unnorm(g[..., 1], Hin)
    return ix, iy


def grid_sample_nearest(img, pos, H, W):
    ix, iy = _coords(img, pos, H, W)
    ixn = jnp.round(ix).astype(jnp.int32)
    iyn = jnp.round(iy).astype(jnp.int32)
    out = jax.vmap(_gather2d)(img, iyn, ixn)
    return jnp.transpose(out, (0, 2, 1))


def grid_sample_bilinear(img, pos, H, W):
    ix, iy = _coords(img, pos, H, W)
    x0 = jnp.floor(ix)
    y0 = jnp.floor(iy)
    tx = (ix - x0)[:, None, :]
    ty = (iy - y0)[:, None, :]
    x0i = x0.astype(jnp.int32)
    y0i = y0.astype(jnp.int32)

    def samp(dy, dx):
        return jax.vmap(_gather2d)(img, y0i + dy, x0i + dx)

    out = (samp(0, 0) * (1 - tx) * (1 - ty) + samp(0, 1) * tx * (1 - ty)
           + samp(1, 0) * (1 - tx) * ty + samp(1, 1) * tx * ty)
    return jnp.transpose(out, (0, 2, 1))


def _cubic_w(t):
    a = -0.75
    t1 = t + 1.0
    t2 = 1.0 - t
    t3 = 2.0 - t
    w0 = a * t1 ** 3 - 5 * a * t1 ** 2 + 8 * a * t1 - 4 * a
    w1 = (a + 2) * t ** 3 - (a + 3) * t ** 2 + 1.0
    w2 = (a + 2) * t2 ** 3 - (a + 3) * t2 ** 2 + 1.0
    w3 = a * t3 ** 3 - 5 * a * t3 ** 2 + 8 * a * t3 - 4 * a
    return [w0, w1, w2, w3]


def grid_sample_bicubic(img, pos, H, W):
    ix, iy = _coords(img, pos, H, W)
    x0 = jnp.floor(ix)
    y0 = jnp.floor(iy)
    tx = ix - x0
    ty = iy - y0
    x0i = x0.astype(jnp.int32)
    y0i = y0.astype(jnp.int32)
    wx = [w[:, None, :] for w in _cubic_w(tx)]
    wy = [w[:, None, :] for w in _cubic_w(ty)]
    out = 0.0
    for dy in range(4):
        for dx in range(4):
            v = jax.vmap(_gather2d)(img, y0i + (dy - 1), x0i + (dx - 1))
            out = out + v * wx[dx] * wy[dy]
    return jnp.transpose(out, (0, 2, 1))


def _forward(M1, K1, H1):
    eps = 1e-12
    M1n = M1 / jnp.maximum(jnp.linalg.norm(M1, axis=1, keepdims=True), eps)
    sc = jax.nn.softmax(K1, axis=1)[:, :64]
    B = sc.shape[0]
    Hc, Wc = sc.shape[2], sc.shape[3]
    hm = jnp.transpose(sc, (0, 2, 3, 1)).reshape(B, Hc, Wc, 8, 8)
    hm = jnp.transpose(hm, (0, 1, 3, 2, 4)).reshape(B, 1, Hc * 8, Wc * 8)
    lm = jax.lax.reduce_window(hm, -jnp.inf, jax.lax.max, (1, 1, 5, 5), (1, 1, 1, 1),
                               ((0, 0), (0, 0), (2, 2), (2, 2)))
    mask = (hm == lm) & (hm > THR)
    mk = []
    for b in range(B):
        ys, xs = jnp.nonzero(mask[b, 0], size=NMAX, fill_value=0)
        mk.append(jnp.stack([xs, ys], axis=-1))
    mkpts = jnp.stack(mk, axis=0).astype(jnp.int32)
    mkf = mkpts.astype(jnp.float32)
    s_near = grid_sample_nearest(hm, mkf, HFULL, WFULL)
    s_bil = grid_sample_bilinear(H1, mkf, HFULL, WFULL)
    scores = (s_near * s_bil)[..., 0]
    scores = jnp.where(jnp.all(mkpts == 0, axis=-1), -1.0, scores)
    idxs = jnp.argsort(-scores, axis=-1)
    mx = jnp.take_along_axis(mkpts[..., 0], idxs, axis=-1)[:, :TOPK]
    my = jnp.take_along_axis(mkpts[..., 1], idxs, axis=-1)[:, :TOPK]
    mk_top = jnp.stack([mx, my], axis=-1).astype(jnp.float32)
    sc_top = jnp.take_along_axis(scores, idxs, axis=-1)[:, :TOPK]
    feats = grid_sample_bicubic(M1n, mk_top, HFULL, WFULL)
    feats = feats / jnp.maximum(jnp.linalg.norm(feats, axis=-1, keepdims=True), eps)
    pts = jnp.concatenate([mk_top, sc_top[..., None]], axis=-1)
    return jnp.concatenate([pts, feats], axis=-1)


def reference(M1, K1, H1):
    return _forward(M1, K1, H1)

if __name__ == "__main__":
    import jax
    _d = setup_inputs()
    print(jax.jit(kernel)(*tuple(_d.values())))

</pallas_src>

<mosaic_0001>
module attributes {stable_mosaic.version = 14 : i64} {
  func.func @_norm_kernel(%arg0: memref<64x6400xf32, #tpu.memory_space<vmem>>, %arg1: memref<64x6400xf32, #tpu.memory_space<vmem>>) attributes {dimension_semantics = [], scalar_prefetch = 0 : i64, scratch_operands = 0 : i64, tpu.core_type = #tpu.core_type<tc>} {
    %get3A = arith.constant 0 : index
    %get3A_0 = arith.constant 0 : index
    %get3A_1 = vector.load %arg0[%get3A, %get3A_0] : memref<64x6400xf32, #tpu.memory_space<vmem>>, vector<64x6400xf32>
    %slice3A = vector.extract_strided_slice %get3A_1 {offsets = [0, 0], sizes = [1, 6400], strides = [1, 1]} : vector<64x6400xf32> to vector<1x6400xf32>
    %squeeze3A = vector.shape_cast %slice3A : vector<1x6400xf32> to vector<6400xf32>
    %slice3A_2 = vector.extract_strided_slice %get3A_1 {offsets = [0, 0], sizes = [1, 6400], strides = [1, 1]} : vector<64x6400xf32> to vector<1x6400xf32>
    %squeeze3A_3 = vector.shape_cast %slice3A_2 : vector<1x6400xf32> to vector<6400xf32>
    %mul3A = arith.mulf %squeeze3A, %squeeze3A_3 : vector<6400xf32>
    %slice3A_4 = vector.extract_strided_slice %get3A_1 {offsets = [1, 0], sizes = [1, 6400], strides = [1, 1]} : vector<64x6400xf32> to vector<1x6400xf32>
    %squeeze3A_5 = vector.shape_cast %slice3A_4 : vector<1x6400xf32> to vector<6400xf32>
    %slice3A_6 = vector.extract_strided_slice %get3A_1 {offsets = [1, 0], sizes = [1, 6400], strides = [1, 1]} : vector<64x6400xf32> to vector<1x6400xf32>
    %squeeze3A_7 = vector.shape_cast %slice3A_6 : vector<1x6400xf32> to vector<6400xf32>
    %mul3A_8 = arith.mulf %squeeze3A_5, %squeeze3A_7 : vector<6400xf32>
    %add3A = arith.addf %mul3A, %mul3A_8 : vector<6400xf32>
    %slice3A_9 = vector.extract_strided_slice %get3A_1 {offsets = [2, 0], sizes = [1, 6400], strides = [1, 1]} : vector<64x6400xf32> to vector<1x6400xf32>
    %squeeze3A_10 = vector.shape_cast %slice3A_9 : vector<1x6400xf32> to vector<6400xf32>
    %slice3A_11 = vector.extract_strided_slice %get3A_1 {offsets = [2, 0], sizes = [1, 6400], strides = [1, 1]} : vector<64x6400xf32> to vector<1x6400xf32>
    %squeeze3A_12 = vector.shape_cast %slice3A_11 : vector<1x6400xf32> to vector<6400xf32>
    %mul3A_13 = arith.mulf %squeeze3A_10, %squeeze3A_12 : vector<6400xf32>
    %add3A_14 = arith.addf %add3A, %mul3A_13 : vector<6400xf32>
    %slice3A_15 = vector.extract_strided_slice %get3A_1 {offsets = [3, 0], sizes = [1, 6400], strides = [1, 1]} : vector<64x6400xf32> to vector<1x6400xf32>
    %squeeze3A_16 = vector.shape_cast %slice3A_15 : vector<1x6400xf32> to vector<6400xf32>
    %slice3A_17 = vector.extract_strided_slice %get3A_1 {offsets = [3, 0], sizes = [1, 6400], strides = [1, 1]} : vector<64x6400xf32> to vector<1x6400xf32>
    %squeeze3A_18 = vector.shape_cast %slice3A_17 : vector<1x6400xf32> to vector<6400xf32>
    %mul3A_19 = arith.mulf %squeeze3A_16, %squeeze3A_18 : vector<6400xf32>
    %add3A_20 = arith.addf %add3A_14, %mul3A_19 : vector<6400xf32>
    %slice3A_21 = vector.extract_strided_slice %get3A_1 {offsets = [4, 0], sizes = [1, 6400], strides = [1, 1]} : vector<64x6400xf32> to vector<1x6400xf32>
    %squeeze3A_22 = vector.shape_cast %slice3A_21 : vector<1x6400xf32> to vector<6400xf32>
    %slice3A_23 = vector.extract_strided_slice %get3A_1 {offsets = [4, 0], sizes = [1, 6400], strides = [1, 1]} : vector<64x6400xf32> to vector<1x6400xf32>
    %squeeze3A_24 = vector.shape_cast %slice3A_23 : vector<1x6400xf32> to vector<6400xf32>
    %mul3A_25 = arith.mulf %squeeze3A_22, %squeeze3A_24 : vector<6400xf32>
    %add3A_26 = arith.addf %add3A_20, %mul3A_25 : vector<6400xf32>
    %slice3A_27 = vector.extract_strided_slice %get3A_1 {offsets = [5, 0], sizes = [1, 6400], strides = [1, 1]} : vector<64x6400xf32> to vector<1x6400xf32>
    %squeeze3A_28 = vector.shape_cast %slice3A_27 : vector<1x6400xf32> to vector<6400xf32>
    %slice3A_29 = vector.extract_strided_slice %get3A_1 {offsets = [5, 0], sizes = [1, 6400], strides = [1, 1]} : vector<64x6400xf32> to vector<1x6400xf32>
    %squeeze3A_30 = vector.shape_cast %slice3A_29 : vector<1x6400xf32> to vector<6400xf32>
    %mul3A_31 = arith.mulf %squeeze3A_28, %squeeze3A_30 : vector<6400xf32>
    %add3A_32 = arith.addf %add3A_26, %mul3A_31 : vector<6400xf32>
    %slice3A_33 = vector.extract_strided_slice %get3A_1 {offsets = [6, 0], sizes = [1, 6400], strides = [1, 1]} : vector<64x6400xf32> to vector<1x6400xf32>
    %squeeze3A_34 = vector.shape_cast %slice3A_33 : vector<1x6400xf32> to vector<6400xf32>
    %slice3A_35 = vector.extract_strided_slice %get3A_1 {offsets = [6, 0], sizes = [1, 6400], strides = [1, 1]} : vector<64x6400xf32> to vector<1x6400xf32>
    %squeeze3A_36 = vector.shape_cast %slice3A_35 : vector<1x6400xf32> to vector<6400xf32>
    %mul3A_37 = arith.mulf %squeeze3A_34, %squeeze3A_36 : vector<6400xf32>
    %add3A_38 = arith.addf %add3A_32, %mul3A_37 : vector<6400xf32>
    %slice3A_39 = vector.extract_strided_slice %get3A_1 {offsets = [7, 0], sizes = [1, 6400], strides = [1, 1]} : vector<64x6400xf32> to vector<1x6400xf32>
    %squeeze3A_40 = vector.shape_cast %slice3A_39 : vector<1x6400xf32> to vector<6400xf32>
    %slice3A_41 = vector.extract_strided_slice %get3A_1 {offsets = [7, 0], sizes = [1, 6400], strides = [1, 1]} : vector<64x6400xf32> to vector<1x6400xf32>
    %squeeze3A_42 = vector.shape_cast %slice3A_41 : vector<1x6400xf32> to vector<6400xf32>
    %mul3A_43 = arith.mulf %squeeze3A_40, %squeeze3A_42 : vector<6400xf32>
    %add3A_44 = arith.addf %add3A_38, %mul3A_43 : vector<6400xf32>
    %slice3A_45 = vector.extract_strided_slice %get3A_1 {offsets = [8, 0], sizes = [1, 6400], strides = [1, 1]} : vector<64x6400xf32> to vector<1x6400xf32>
    %squeeze3A_46 = vector.shape_cast %slice3A_45 : vector<1x6400xf32> to vector<6400xf32>
    %slice3A_47 = vector.extract_strided_slice %get3A_1 {offsets = [8, 0], sizes = [1, 6400], strides = [1, 1]} : vector<64x6400xf32> to vector<1x6400xf32>
    %squeeze3A_48 = vector.shape_cast %slice3A_47 : vector<1x6400xf32> to vector<6400xf32>
    %mul3A_49 = arith.mulf %squeeze3A_46, %squeeze3A_48 : vector<6400xf32>
    %add3A_50 = arith.addf %add3A_44, %mul3A_49 : vector<6400xf32>
    %slice3A_51 = vector.extract_strided_slice %get3A_1 {offsets = [9, 0], sizes = [1, 6400], strides = [1, 1]} : vector<64x6400xf32> to vector<1x6400xf32>
    %squeeze3A_52 = vector.shape_cast %slice3A_51 : vector<1x6400xf32> to vector<6400xf32>
    %slice3A_53 = vector.extract_strided_slice %get3A_1 {offsets = [9, 0], sizes = [1, 6400], strides = [1, 1]} : vector<64x6400xf32> to vector<1x6400xf32>
    %squeeze3A_54 = vector.shape_cast %slice3A_53 : vector<1x6400xf32> to vector<6400xf32>
    %mul3A_55 = arith.mulf %squeeze3A_52, %squeeze3A_54 : vector<6400xf32>
    %add3A_56 = arith.addf %add3A_50, %mul3A_55 : vector<6400xf32>
    %slice3A_57 = vector.extract_strided_slice %get3A_1 {offsets = [10, 0], sizes = [1, 6400], strides = [1, 1]} : vector<64x6400xf32> to vector<1x6400xf32>
    %squeeze3A_58 = vector.shape_cast %slice3A_57 : vector<1x6400xf32> to vector<6400xf32>
    %slice3A_59 = vector.extract_strided_slice %get3A_1 {offsets = [10, 0], sizes = [1, 6400], strides = [1, 1]} : vector<64x6400xf32> to vector<1x6400xf32>
    %squeeze3A_60 = vector.shape_cast %slice3A_59 : vector<1x6400xf32> to vector<6400xf32>
    %mul3A_61 = arith.mulf %squeeze3A_58, %squeeze3A_60 : vector<6400xf32>
    %add3A_62 = arith.addf %add3A_56, %mul3A_61 : vector<6400xf32>
    %slice3A_63 = vector.extract_strided_slice %get3A_1 {offsets = [11, 0], sizes = [1, 6400], strides = [1, 1]} : vector<64x6400xf32> to vector<1x6400xf32>
    %squeeze3A_64 = vector.shape_cast %slice3A_63 : vector<1x6400xf32> to vector<6400xf32>
    %slice3A_65 = vector.extract_strided_slice %get3A_1 {offsets = [11, 0], sizes = [1, 6400], strides = [1, 1]} : vector<64x6400xf32> to vector<1x6400xf32>
    %squeeze3A_66 = vector.shape_cast %slice3A_65 : vector<1x6400xf32> to vector<6400xf32>
    %mul3A_67 = arith.mulf %squeeze3A_64, %squeeze3A_66 : vector<6400xf32>
    %add3A_68 = arith.addf %add3A_62, %mul3A_67 : vector<6400xf32>
    %slice3A_69 = vector.extract_strided_slice %get3A_1 {offsets = [12, 0], sizes = [1, 6400], strides = [1, 1]} : vector<64x6400xf32> to vector<1x6400xf32>
    %squeeze3A_70 = vector.shape_cast %slice3A_69 : vector<1x6400xf32> to vector<6400xf32>
    %slice3A_71 = vector.extract_strided_slice %get3A_1 {offsets = [12, 0], sizes = [1, 6400], strides = [1, 1]} : vector<64x6400xf32> to vector<1x6400xf32>
    %squeeze3A_72 = vector.shape_cast %slice3A_71 : vector<1x6400xf32> to vector<6400xf32>
    %mul3A_73 = arith.mulf %squeeze3A_70, %squeeze3A_72 : vector<6400xf32>
    %add3A_74 = arith.addf %add3A_68, %mul3A_73 : vector<6400xf32>
    %slice3A_75 = vector.extract_strided_slice %get3A_1 {offsets = [13, 0], sizes = [1, 6400], strides = [1, 1]} : vector<64x6400xf32> to vector<1x6400xf32>
    %squeeze3A_76 = vector.shape_cast %slice3A_75 : vector<1x6400xf32> to vector<6400xf32>
    %slice3A_77 = vector.extract_strided_slice %get3A_1 {offsets = [13, 0], sizes = [1, 6400], strides = [1, 1]} : vector<64x6400xf32> to vector<1x6400xf32>
    %squeeze3A_78 = vector.shape_cast %slice3A_77 : vector<1x6400xf32> to vector<6400xf32>
    %mul3A_79 = arith.mulf %squeeze3A_76, %squeeze3A_78 : vector<6400xf32>
    %add3A_80 = arith.addf %add3A_74, %mul3A_79 : vector<6400xf32>
    %slice3A_81 = vector.extract_strided_slice %get3A_1 {offsets = [14, 0], sizes = [1, 6400], strides = [1, 1]} : vector<64x6400xf32> to vector<1x6400xf32>
    %squeeze3A_82 = vector.shape_cast %slice3A_81 : vector<1x6400xf32> to vector<6400xf32>
    %slice3A_83 = vector.extract_strided_slice %get3A_1 {offsets = [14, 0], sizes = [1, 6400], strides = [1, 1]} : vector<64x6400xf32> to vector<1x6400xf32>
    %squeeze3A_84 = vector.shape_cast %slice3A_83 : vector<1x6400xf32> to vector<6400xf32>
    %mul3A_85 = arith.mulf %squeeze3A_82, %squeeze3A_84 : vector<6400xf32>
    %add3A_86 = arith.addf %add3A_80, %mul3A_85 : vector<6400xf32>
    %slice3A_87 = vector.extract_strided_slice %get3A_1 {offsets = [15, 0], sizes = [1, 6400], strides = [1, 1]} : vector<64x6400xf32> to vector<1x6400xf32>
    %squeeze3A_88 = vector.shape_cast %slice3A_87 : vector<1x6400xf32> to vector<6400xf32>
    %slice3A_89 = vector.extract_strided_slice %get3A_1 {offsets = [15, 0], sizes = [1, 6400], strides = [1, 1]} : vector<64x6400xf32> to vector<1x6400xf32>
    %squeeze3A_90 = vector.shape_cast %slice3A_89 : vector<1x6400xf32> to vector<6400xf32>
    %mul3A_91 = arith.mulf %squeeze3A_88, %squeeze3A_90 : vector<6400xf32>
    %add3A_92 = arith.addf %add3A_86, %mul3A_91 : vector<6400xf32>
    %slice3A_93 = vector.extract_strided_slice %get3A_1 {offsets = [16, 0], sizes = [1, 6400], strides = [1, 1]} : vector<64x6400xf32> to vector<1x6400xf32>
    %squeeze3A_94 = vector.shape_cast %slice3A_93 : vector<1x6400xf32> to vector<6400xf32>
    %slice3A_95 = vector.extract_strided_slice %get3A_1 {offsets = [16, 0], sizes = [1, 6400], strides = [1, 1]} : vector<64x6400xf32> to vector<1x6400xf32>
    %squeeze3A_96 = vector.shape_cast %slice3A_95 : vector<1x6400xf32> to vector<6400xf32>
    %mul3A_97 = arith.mulf %squeeze3A_94, %squeeze3A_96 : vector<6400xf32>
    %add3A_98 = arith.addf %add3A_92, %mul3A_97 : vector<6400xf32>
    %slice3A_99 = vector.extract_strided_slice %get3A_1 {offsets = [17, 0], sizes = [1, 6400], strides = [1, 1]} : vector<64x6400xf32> to vector<1x6400xf32>
    %squeeze3A_100 = vector.shape_cast %slice3A_99 : vector<1x6400xf32> to vector<6400xf32>
    %slice3A_101 = vector.extract_strided_slice %get3A_1 {offsets = [17, 0], sizes = [1, 6400], strides = [1, 1]} : vector<64x6400xf32> to vector<1x6400xf32>
    %squeeze3A_102 = vector.shape_cast %slice3A_101 : vector<1x6400xf32> to vector<6400xf32>
    %mul3A_103 = arith.mulf %squeeze3A_100, %squeeze3A_102 : vector<6400xf32>
    %add3A_104 = arith.addf %add3A_98, %mul3A_103 : vector<6400xf32>
    %slice3A_105 = vector.extract_strided_slice %get3A_1 {offsets = [18, 0], sizes = [1, 6400], strides = [1, 1]} : vector<64x6400xf32> to vector<1x6400xf32>
    %squeeze3A_106 = vector.shape_cast %slice3A_105 : vector<1x6400xf32> to vector<6400xf32>
    %slice3A_107 = vector.extract_strided_slice %get3A_1 {offsets = [18, 0], sizes = [1, 6400], strides = [1, 1]} : vector<64x6400xf32> to vector<1x6400xf32>
    %squeeze3A_108 = vector.shape_cast %slice3A_107 : vector<1x6400xf32> to vector<6400xf32>
    %mul3A_109 = arith.mulf %squeeze3A_106, %squeeze3A_108 : vector<6400xf32>
    %add3A_110 = arith.addf %add3A_104, %mul3A_109 : vector<6400xf32>
    %slice3A_111 = vector.extract_strided_slice %get3A_1 {offsets = [19, 0], sizes = [1, 6400], strides = [1, 1]} : vector<64x6400xf32> to vector<1x6400xf32>
    %squeeze3A_112 = vector.shape_cast %slice3A_111 : vector<1x6400xf32> to vector<6400xf32>
    %slice3A_113 = vector.extract_strided_slice %get3A_1 {offsets = [19, 0], sizes = [1, 6400], strides = [1, 1]} : vector<64x6400xf32> to vector<1x6400xf32>
    %squeeze3A_114 = vector.shape_cast %slice3A_113 : vector<1x6400xf32> to vector<6400xf32>
    %mul3A_115 = arith.mulf %squeeze3A_112, %squeeze3A_114 : vector<6400xf32>
    %add3A_116 = arith.addf %add3A_110, %mul3A_115 : vector<6400xf32>
    %slice3A_117 = vector.extract_strided_slice %get3A_1 {offsets = [20, 0], sizes = [1, 6400], strides = [1, 1]} : vector<64x6400xf32> to vector<1x6400xf32>
    %squeeze3A_118 = vector.shape_cast %slice3A_117 : vector<1x6400xf32> to vector<6400xf32>
    %slice3A_119 = vector.extract_strided_slice %get3A_1 {offsets = [20, 0], sizes = [1, 6400], strides = [1, 1]} : vector<64x6400xf32> to vector<1x6400xf32>
    %squeeze3A_120 = vector.shape_cast %slice3A_119 : vector<1x6400xf32> to vector<6400xf32>
    %mul3A_121 = arith.mulf %squeeze3A_118, %squeeze3A_120 : vector<6400xf32>
    %add3A_122 = arith.addf %add3A_116, %mul3A_121 : vector<6400xf32>
    %slice3A_123 = vector.extract_strided_slice %get3A_1 {offsets = [21, 0], sizes = [1, 6400], strides = [1, 1]} : vector<64x6400xf32> to vector<1x6400xf32>
    %squeeze3A_124 = vector.shape_cast %slice3A_123 : vector<1x6400xf32> to vector<6400xf32>
    %slice3A_125 = vector.extract_strided_slice %get3A_1 {offsets = [21, 0], sizes = [1, 6400], strides = [1, 1]} : vector<64x6400xf32> to vector<1x6400xf32>
    %squeeze3A_126 = vector.shape_cast %slice3A_125 : vector<1x6400xf32> to vector<6400xf32>
    %mul3A_127 = arith.mulf %squeeze3A_124, %squeeze3A_126 : vector<6400xf32>
    %add3A_128 = arith.addf %add3A_122, %mul3A_127 : vector<6400xf32>
    %slice3A_129 = vector.extract_strided_slice %get3A_1 {offsets = [22, 0], sizes = [1, 6400], strides = [1, 1]} : vector<64x6400xf32> to vector<1x6400xf32>
    %squeeze3A_130 = vector.shape_cast %slice3A_129 : vector<1x6400xf32> to vector<6400xf32>
    %slice3A_131 = vector.extract_strided_slice %get3A_1 {offsets = [22, 0], sizes = [1, 6400], strides = [1, 1]} : vector<64x6400xf32> to vector<1x6400xf32>
    %squeeze3A_132 = vector.shape_cast %slice3A_131 : vector<1x6400xf32> to vector<6400xf32>
    %mul3A_133 = arith.mulf %squeeze3A_130, %squeeze3A_132 : vector<6400xf32>
    %add3A_134 = arith.addf %add3A_128, %mul3A_133 : vector<6400xf32>
    %slice3A_135 = vector.extract_strided_slice %get3A_1 {offsets = [23, 0], sizes = [1, 6400], strides = [1, 1]} : vector<64x6400xf32> to vector<1x6400xf32>
    %squeeze3A_136 = vector.shape_cast %slice3A_135 : vector<1x6400xf32> to vector<6400xf32>
    %slice3A_137 = vector.extract_strided_slice %get3A_1 {offsets = [23, 0], sizes = [1, 6400], strides = [1, 1]} : vector<64x6400xf32> to vector<1x6400xf32>
    %squeeze3A_138 = vector.shape_cast %slice3A_137 : vector<1x6400xf32> to vector<6400xf32>
    %mul3A_139 = arith.mulf %squeeze3A_136, %squeeze3A_138 : vector<6400xf32>
    %add3A_140 = arith.addf %add3A_134, %mul3A_139 : vector<6400xf32>
    %slice3A_141 = vector.extract_strided_slice %get3A_1 {offsets = [24, 0], sizes = [1, 6400], strides = [1, 1]} : vector<64x6400xf32> to vector<1x6400xf32>
    %squeeze3A_142 = vector.shape_cast %slice3A_141 : vector<1x6400xf32> to vector<6400xf32>
    %slice3A_143 = vector.extract_strided_slice %get3A_1 {offsets = [24, 0], sizes = [1, 6400], strides = [1, 1]} : vector<64x6400xf32> to vector<1x6400xf32>
    %squeeze3A_144 = vector.shape_cast %slice3A_143 : vector<1x6400xf32> to vector<6400xf32>
    %mul3A_145 = arith.mulf %squeeze3A_142, %squeeze3A_144 : vector<6400xf32>
    %add3A_146 = arith.addf %add3A_140, %mul3A_145 : vector<6400xf32>
    %slice3A_147 = vector.extract_strided_slice %get3A_1 {offsets = [25, 0], sizes = [1, 6400], strides = [1, 1]} : vector<64x6400xf32> to vector<1x6400xf32>
    %squeeze3A_148 = vector.shape_cast %slice3A_147 : vector<1x6400xf32> to vector<6400xf32>
    %slice3A_149 = vector.extract_strided_slice %get3A_1 {offsets = [25, 0], sizes = [1, 6400], strides = [1, 1]} : vector<64x6400xf32> to vector<1x6400xf32>
    %squeeze3A_150 = vector.shape_cast %slice3A_149 : vector<1x6400xf32> to vector<6400xf32>
    %mul3A_151 = arith.mulf %squeeze3A_148, %squeeze3A_150 : vector<6400xf32>
    %add3A_152 = arith.addf %add3A_146, %mul3A_151 : vector<6400xf32>
    %slice3A_153 = vector.extract_strided_slice %get3A_1 {offsets = [26, 0], sizes = [1, 6400], strides = [1, 1]} : vector<64x6400xf32> to vector<1x6400xf32>
    %squeeze3A_154 = vector.shape_cast %slice3A_153 : vector<1x6400xf32> to vector<6400xf32>
    %slice3A_155 = vector.extract_strided_slice %get3A_1 {offsets = [26, 0], sizes = [1, 6400], strides = [1, 1]} : vector<64x6400xf32> to vector<1x6400xf32>
    %squeeze3A_156 = vector.shape_cast %slice3A_155 : vector<1x6400xf32> to vector<6400xf32>
    %mul3A_157 = arith.mulf %squeeze3A_154, %squeeze3A_156 : vector<6400xf32>
    %add3A_158 = arith.addf %add3A_152, %mul3A_157 : vector<6400xf32>
    %slice3A_159 = vector.extract_strided_slice %get3A_1 {offsets = [27, 0], sizes = [1, 6400], strides = [1, 1]} : vector<64x6400xf32> to vector<1x6400xf32>
    %squeeze3A_160 = vector.shape_cast %slice3A_159 : vector<1x6400xf32> to vector<6400xf32>
    %slice3A_161 = vector.extract_strided_slice %get3A_1 {offsets = [27, 0], sizes = [1, 6400], strides = [1, 1]} : vector<64x6400xf32> to vector<1x6400xf32>
    %squeeze3A_162 = vector.shape_cast %slice3A_161 : vector<1x6400xf32> to vector<6400xf32>
    %mul3A_163 = arith.mulf %squeeze3A_160, %squeeze3A_162 : vector<6400xf32>
    %add3A_164 = arith.addf %add3A_158, %mul3A_163 : vector<6400xf32>
    %slice3A_165 = vector.extract_strided_slice %get3A_1 {offsets = [28, 0], sizes = [1, 6400], strides = [1, 1]} : vector<64x6400xf32> to vector<1x6400xf32>
    %squeeze3A_166 = vector.shape_cast %slice3A_165 : vector<1x6400xf32> to vector<6400xf32>
    %slice3A_167 = vector.extract_strided_slice %get3A_1 {offsets = [28, 0], sizes = [1, 6400], strides = [1, 1]} : vector<64x6400xf32> to vector<1x6400xf32>
    %squeeze3A_168 = vector.shape_cast %slice3A_167 : vector<1x6400xf32> to vector<6400xf32>
    %mul3A_169 = arith.mulf %squeeze3A_166, %squeeze3A_168 : vector<6400xf32>
    %add3A_170 = arith.addf %add3A_164, %mul3A_169 : vector<6400xf32>
    %slice3A_171 = vector.extract_strided_slice %get3A_1 {offsets = [29, 0], sizes = [1, 6400], strides = [1, 1]} : vector<64x6400xf32> to vector<1x6400xf32>
    %squeeze3A_172 = vector.shape_cast %slice3A_171 : vector<1x6400xf32> to vector<6400xf32>
    %slice3A_173 = vector.extract_strided_slice %get3A_1 {offsets = [29, 0], sizes = [1, 6400], strides = [1, 1]} : vector<64x6400xf32> to vector<1x6400xf32>
    %squeeze3A_174 = vector.shape_cast %slice3A_173 : vector<1x6400xf32> to vector<6400xf32>
    %mul3A_175 = arith.mulf %squeeze3A_172, %squeeze3A_174 : vector<6400xf32>
    %add3A_176 = arith.addf %add3A_170, %mul3A_175 : vector<6400xf32>
    %slice3A_177 = vector.extract_strided_slice %get3A_1 {offsets = [30, 0], sizes = [1, 6400], strides = [1, 1]} : vector<64x6400xf32> to vector<1x6400xf32>
    %squeeze3A_178 = vector.shape_cast %slice3A_177 : vector<1x6400xf32> to vector<6400xf32>
    %slice3A_179 = vector.extract_strided_slice %get3A_1 {offsets = [30, 0], sizes = [1, 6400], strides = [1, 1]} : vector<64x6400xf32> to vector<1x6400xf32>
    %squeeze3A_180 = vector.shape_cast %slice3A_179 : vector<1x6400xf32> to vector<6400xf32>
    %mul3A_181 = arith.mulf %squeeze3A_178, %squeeze3A_180 : vector<6400xf32>
    %add3A_182 = arith.addf %add3A_176, %mul3A_181 : vector<6400xf32>
    %slice3A_183 = vector.extract_strided_slice %get3A_1 {offsets = [31, 0], sizes = [1, 6400], strides = [1, 1]} : vector<64x6400xf32> to vector<1x6400xf32>
    %squeeze3A_184 = vector.shape_cast %slice3A_183 : vector<1x6400xf32> to vector<6400xf32>
    %slice3A_185 = vector.extract_strided_slice %get3A_1 {offsets = [31, 0], sizes = [1, 6400], strides = [1, 1]} : vector<64x6400xf32> to vector<1x6400xf32>
    %squeeze3A_186 = vector.shape_cast %slice3A_185 : vector<1x6400xf32> to vector<6400xf32>
    %mul3A_187 = arith.mulf %squeeze3A_184, %squeeze3A_186 : vector<6400xf32>
    %add3A_188 = arith.addf %add3A_182, %mul3A_187 : vector<6400xf32>
    %slice3A_189 = vector.extract_strided_slice %get3A_1 {offsets = [32, 0], sizes = [1, 6400], strides = [1, 1]} : vector<64x6400xf32> to vector<1x6400xf32>
    %squeeze3A_190 = vector.shape_cast %slice3A_189 : vector<1x6400xf32> to vector<6400xf32>
    %slice3A_191 = vector.extract_strided_slice %get3A_1 {offsets = [32, 0], sizes = [1, 6400], strides = [1, 1]} : vector<64x6400xf32> to vector<1x6400xf32>
    %squeeze3A_192 = vector.shape_cast %slice3A_191 : vector<1x6400xf32> to vector<6400xf32>
    %mul3A_193 = arith.mulf %squeeze3A_190, %squeeze3A_192 : vector<6400xf32>
    %add3A_194 = arith.addf %add3A_188, %mul3A_193 : vector<6400xf32>
    %slice3A_195 = vector.extract_strided_slice %get3A_1 {offsets = [33, 0], sizes = [1, 6400], strides = [1, 1]} : vector<64x6400xf32> to vector<1x6400xf32>
    %squeeze3A_196 = vector.shape_cast %slice3A_195 : vector<1x6400xf32> to vector<6400xf32>
    %slice3A_197 = vector.extract_strided_slice %get3A_1 {offsets = [33, 0], sizes = [1, 6400], strides = [1, 1]} : vector<64x6400xf32> to vector<1x6400xf32>
    %squeeze3A_198 = vector.shape_cast %slice3A_197 : vector<1x6400xf32> to vector<6400xf32>
    %mul3A_199 = arith.mulf %squeeze3A_196, %squeeze3A_198 : vector<6400xf32>
    %add3A_200 = arith.addf %add3A_194, %mul3A_199 : vector<6400xf32>
    %slice3A_201 = vector.extract_strided_slice %get3A_1 {offsets = [34, 0], sizes = [1, 6400], strides = [1, 1]} : vector<64x6400xf32> to vector<1x6400xf32>
    %squeeze3A_202 = vector.shape_cast %slice3A_201 : vector<1x6400xf32> to vector<6400xf32>
    %slice3A_203 = vector.extract_strided_slice %get3A_1 {offsets = [34, 0], sizes = [1, 6400], strides = [1, 1]} : vector<64x6400xf32> to vector<1x6400xf32>
    %squeeze3A_204 = vector.shape_cast %slice3A_203 : vector<1x6400xf32> to vector<6400xf32>
    %mul3A_205 = arith.mulf %squeeze3A_202, %squeeze3A_204 : vector<6400xf32>
    %add3A_206 = arith.addf %add3A_200, %mul3A_205 : vector<6400xf32>
    %slice3A_207 = vector.extract_strided_slice %get3A_1 {offsets = [35, 0], sizes = [1, 6400], strides = [1, 1]} : vector<64x6400xf32> to vector<1x6400xf32>
    %squeeze3A_208 = vector.shape_cast %slice3A_207 : vector<1x6400xf32> to vector<6400xf32>
    %slice3A_209 = vector.extract_strided_slice %get3A_1 {offsets = [35, 0], sizes = [1, 6400], strides = [1, 1]} : vector<64x6400xf32> to vector<1x6400xf32>
    %squeeze3A_210 = vector.shape_cast %slice3A_209 : vector<1x6400xf32> to vector<6400xf32>
    %mul3A_211 = arith.mulf %squeeze3A_208, %squeeze3A_210 : vector<6400xf32>
    %add3A_212 = arith.addf %add3A_206, %mul3A_211 : vector<6400xf32>
    %slice3A_213 = vector.extract_strided_slice %get3A_1 {offsets = [36, 0], sizes = [1, 6400], strides = [1, 1]} : vector<64x6400xf32> to vector<1x6400xf32>
    %squeeze3A_214 = vector.shape_cast %slice3A_213 : vector<1x6400xf32> to vector<6400xf32>
    %slice3A_215 = vector.extract_strided_slice %get3A_1 {offsets = [36, 0], sizes = [1, 6400], strides = [1, 1]} : vector<64x6400xf32> to vector<1x6400xf32>
    %squeeze3A_216 = vector.shape_cast %slice3A_215 : vector<1x6400xf32> to vector<6400xf32>
    %mul3A_217 = arith.mulf %squeeze3A_214, %squeeze3A_216 : vector<6400xf32>
    %add3A_218 = arith.addf %add3A_212, %mul3A_217 : vector<6400xf32>
    %slice3A_219 = vector.extract_strided_slice %get3A_1 {offsets = [37, 0], sizes = [1, 6400], strides = [1, 1]} : vector<64x6400xf32> to vector<1x6400xf32>
    %squeeze3A_220 = vector.shape_cast %slice3A_219 : vector<1x6400xf32> to vector<6400xf32>
    %slice3A_221 = vector.extract_strided_slice %get3A_1 {offsets = [37, 0], sizes = [1, 6400], strides = [1, 1]} : vector<64x6400xf32> to vector<1x6400xf32>
    %squeeze3A_222 = vector.shape_cast %slice3A_221 : vector<1x6400xf32> to vector<6400xf32>
    %mul3A_223 = arith.mulf %squeeze3A_220, %squeeze3A_222 : vector<6400xf32>
    %add3A_224 = arith.addf %add3A_218, %mul3A_223 : vector<6400xf32>
    %slice3A_225 = vector.extract_strided_slice %get3A_1 {offsets = [38, 0], sizes = [1, 6400], strides = [1, 1]} : vector<64x6400xf32> to vector<1x6400xf32>
    %squeeze3A_226 = vector.shape_cast %slice3A_225 : vector<1x6400xf32> to vector<6400xf32>
    %slice3A_227 = vector.extract_strided_slice %get3A_1 {offsets = [38, 0], sizes = [1, 6400], strides = [1, 1]} : vector<64x6400xf32> to vector<1x6400xf32>
    %squeeze3A_228 = vector.shape_cast %slice3A_227 : vector<1x6400xf32> to vector<6400xf32>
    %mul3A_229 = arith.mulf %squeeze3A_226, %squeeze3A_228 : vector<6400xf32>
    %add3A_230 = arith.addf %add3A_224, %mul3A_229 : vector<6400xf32>
    %slice3A_231 = vector.extract_strided_slice %get3A_1 {offsets = [39, 0], sizes = [1, 6400], strides = [1, 1]} : vector<64x6400xf32> to vector<1x6400xf32>
    %squeeze3A_232 = vector.shape_cast %slice3A_231 : vector<1x6400xf32> to vector<6400xf32>
    %slice3A_233 = vector.extract_strided_slice %get3A_1 {offsets = [39, 0], sizes = [1, 6400], strides = [1, 1]} : vector<64x6400xf32> to vector<1x6400xf32>
    %squeeze3A_234 = vector.shape_cast %slice3A_233 : vector<1x6400xf32> to vector<6400xf32>
    %mul3A_235 = arith.mulf %squeeze3A_232, %squeeze3A_234 : vector<6400xf32>
    %add3A_236 = arith.addf %add3A_230, %mul3A_235 : vector<6400xf32>
    %slice3A_237 = vector.extract_strided_slice %get3A_1 {offsets = [40, 0], sizes = [1, 6400], strides = [1, 1]} : vector<64x6400xf32> to vector<1x6400xf32>
    %squeeze3A_238 = vector.shape_cast %slice3A_237 : vector<1x6400xf32> to vector<6400xf32>
    %slice3A_239 = vector.extract_strided_slice %get3A_1 {offsets = [40, 0], sizes = [1, 6400], strides = [1, 1]} : vector<64x6400xf32> to vector<1x6400xf32>
    %squeeze3A_240 = vector.shape_cast %slice3A_239 : vector<1x6400xf32> to vector<6400xf32>
    %mul3A_241 = arith.mulf %squeeze3A_238, %squeeze3A_240 : vector<6400xf32>
    %add3A_242 = arith.addf %add3A_236, %mul3A_241 : vector<6400xf32>
    %slice3A_243 = vector.extract_strided_slice %get3A_1 {offsets = [41, 0], sizes = [1, 6400], strides = [1, 1]} : vector<64x6400xf32> to vector<1x6400xf32>
    %squeeze3A_244 = vector.shape_cast %slice3A_243 : vector<1x6400xf32> to vector<6400xf32>
    %slice3A_245 = vector.extract_strided_slice %get3A_1 {offsets = [41, 0], sizes = [1, 6400], strides = [1, 1]} : vector<64x6400xf32> to vector<1x6400xf32>
    %squeeze3A_246 = vector.shape_cast %slice3A_245 : vector<1x6400xf32> to vector<6400xf32>
    %mul3A_247 = arith.mulf %squeeze3A_244, %squeeze3A_246 : vector<6400xf32>
    %add3A_248 = arith.addf %add3A_242, %mul3A_247 : vector<6400xf32>
    %slice3A_249 = vector.extract_strided_slice %get3A_1 {offsets = [42, 0], sizes = [1, 6400], strides = [1, 1]} : vector<64x6400xf32> to vector<1x6400xf32>
    %squeeze3A_250 = vector.shape_cast %slice3A_249 : vector<1x6400xf32> to vector<6400xf32>
    %slice3A_251 = vector.extract_strided_slice %get3A_1 {offsets = [42, 0], sizes = [1, 6400], strides = [1, 1]} : vector<64x6400xf32> to vector<1x6400xf32>
    %squeeze3A_252 = vector.shape_cast %slice3A_251 : vector<1x6400xf32> to vector<6400xf32>
    %mul3A_253 = arith.mulf %squeeze3A_250, %squeeze3A_252 : vector<6400xf32>
    %add3A_254 = arith.addf %add3A_248, %mul3A_253 : vector<6400xf32>
    %slice3A_255 = vector.extract_strided_slice %get3A_1 {offsets = [43, 0], sizes = [1, 6400], strides = [1, 1]} : vector<64x6400xf32> to vector<1x6400xf32>
    %squeeze3A_256 = vector.shape_cast %slice3A_255 : vector<1x6400xf32> to vector<6400xf32>
    %slice3A_257 = vector.extract_strided_slice %get3A_1 {offsets = [43, 0], sizes = [1, 6400], strides = [1, 1]} : vector<64x6400xf32> to vector<1x6400xf32>
    %squeeze3A_258 = vector.shape_cast %slice3A_257 : vector<1x6400xf32> to vector<6400xf32>
    %mul3A_259 = arith.mulf %squeeze3A_256, %squeeze3A_258 : vector<6400xf32>
    %add3A_260 = arith.addf %add3A_254, %mul3A_259 : vector<6400xf32>
    %slice3A_261 = vector.extract_strided_slice %get3A_1 {offsets = [44, 0], sizes = [1, 6400], strides = [1, 1]} : vector<64x6400xf32> to vector<1x6400xf32>
    %squeeze3A_262 = vector.shape_cast %slice3A_261 : vector<1x6400xf32> to vector<6400xf32>
    %slice3A_263 = vector.extract_strided_slice %get3A_1 {offsets = [44, 0], sizes = [1, 6400], strides = [1, 1]} : vector<64x6400xf32> to vector<1x6400xf32>
    %squeeze3A_264 = vector.shape_cast %slice3A_263 : vector<1x6400xf32> to vector<6400xf32>
    %mul3A_265 = arith.mulf %squeeze3A_262, %squeeze3A_264 : vector<6400xf32>
    %add3A_266 = arith.addf %add3A_260, %mul3A_265 : vector<6400xf32>
    %slice3A_267 = vector.extract_strided_slice %get3A_1 {offsets = [45, 0], sizes = [1, 6400], strides = [1, 1]} : vector<64x6400xf32> to vector<1x6400xf32>
    %squeeze3A_268 = vector.shape_cast %slice3A_267 : vector<1x6400xf32> to vector<6400xf32>
    %slice3A_269 = vector.extract_strided_slice %get3A_1 {offsets = [45, 0], sizes = [1, 6400], strides = [1, 1]} : vector<64x6400xf32> to vector<1x6400xf32>
    %squeeze3A_270 = vector.shape_cast %slice3A_269 : vector<1x6400xf32> to vector<6400xf32>
    %mul3A_271 = arith.mulf %squeeze3A_268, %squeeze3A_270 : vector<6400xf32>
    %add3A_272 = arith.addf %add3A_266, %mul3A_271 : vector<6400xf32>
    %slice3A_273 = vector.extract_strided_slice %get3A_1 {offsets = [46, 0], sizes = [1, 6400], strides = [1, 1]} : vector<64x6400xf32> to vector<1x6400xf32>
    %squeeze3A_274 = vector.shape_cast %slice3A_273 : vector<1x6400xf32> to vector<6400xf32>
    %slice3A_275 = vector.extract_strided_slice %get3A_1 {offsets = [46, 0], sizes = [1, 6400], strides = [1, 1]} : vector<64x6400xf32> to vector<1x6400xf32>
    %squeeze3A_276 = vector.shape_cast %slice3A_275 : vector<1x6400xf32> to vector<6400xf32>
    %mul3A_277 = arith.mulf %squeeze3A_274, %squeeze3A_276 : vector<6400xf32>
    %add3A_278 = arith.addf %add3A_272, %mul3A_277 : vector<6400xf32>
    %slice3A_279 = vector.extract_strided_slice %get3A_1 {offsets = [47, 0], sizes = [1, 6400], strides = [1, 1]} : vector<64x6400xf32> to vector<1x6400xf32>
    %squeeze3A_280 = vector.shape_cast %slice3A_279 : vector<1x6400xf32> to vector<6400xf32>
    %slice3A_281 = vector.extract_strided_slice %get3A_1 {offsets = [47, 0], sizes = [1, 6400], strides = [1, 1]} : vector<64x6400xf32> to vector<1x6400xf32>
    %squeeze3A_282 = vector.shape_cast %slice3A_281 : vector<1x6400xf32> to vector<6400xf32>
    %mul3A_283 = arith.mulf %squeeze3A_280, %squeeze3A_282 : vector<6400xf32>
    %add3A_284 = arith.addf %add3A_278, %mul3A_283 : vector<6400xf32>
    %slice3A_285 = vector.extract_strided_slice %get3A_1 {offsets = [48, 0], sizes = [1, 6400], strides = [1, 1]} : vector<64x6400xf32> to vector<1x6400xf32>
    %squeeze3A_286 = vector.shape_cast %slice3A_285 : vector<1x6400xf32> to vector<6400xf32>
    %slice3A_287 = vector.extract_strided_slice %get3A_1 {offsets = [48, 0], sizes = [1, 6400], strides = [1, 1]} : vector<64x6400xf32> to vector<1x6400xf32>
    %squeeze3A_288 = vector.shape_cast %slice3A_287 : vector<1x6400xf32> to vector<6400xf32>
    %mul3A_289 = arith.mulf %squeeze3A_286, %squeeze3A_288 : vector<6400xf32>
    %add3A_290 = arith.addf %add3A_284, %mul3A_289 : vector<6400xf32>
    %slice3A_291 = vector.extract_strided_slice %get3A_1 {offsets = [49, 0], sizes = [1, 6400], strides = [1, 1]} : vector<64x6400xf32> to vector<1x6400xf32>
    %squeeze3A_292 = vector.shape_cast %slice3A_291 : vector<1x6400xf32> to vector<6400xf32>
    %slice3A_293 = vector.extract_strided_slice %get3A_1 {offsets = [49, 0], sizes = [1, 6400], strides = [1, 1]} : vector<64x6400xf32> to vector<1x6400xf32>
    %squeeze3A_294 = vector.shape_cast %slice3A_293 : vector<1x6400xf32> to vector<6400xf32>
    %mul3A_295 = arith.mulf %squeeze3A_292, %squeeze3A_294 : vector<6400xf32>
    %add3A_296 = arith.addf %add3A_290, %mul3A_295 : vector<6400xf32>
    %slice3A_297 = vector.extract_strided_slice %get3A_1 {offsets = [50, 0], sizes = [1, 6400], strides = [1, 1]} : vector<64x6400xf32> to vector<1x6400xf32>
    %squeeze3A_298 = vector.shape_cast %slice3A_297 : vector<1x6400xf32> to vector<6400xf32>
    %slice3A_299 = vector.extract_strided_slice %get3A_1 {offsets = [50, 0], sizes = [1, 6400], strides = [1, 1]} : vector<64x6400xf32> to vector<1x6400xf32>
    %squeeze3A_300 = vector.shape_cast %slice3A_299 : vector<1x6400xf32> to vector<6400xf32>
    %mul3A_301 = arith.mulf %squeeze3A_298, %squeeze3A_300 : vector<6400xf32>
    %add3A_302 = arith.addf %add3A_296, %mul3A_301 : vector<6400xf32>
    %slice3A_303 = vector.extract_strided_slice %get3A_1 {offsets = [51, 0], sizes = [1, 6400], strides = [1, 1]} : vector<64x6400xf32> to vector<1x6400xf32>
    %squeeze3A_304 = vector.shape_cast %slice3A_303 : vector<1x6400xf32> to vector<6400xf32>
    %slice3A_305 = vector.extract_strided_slice %get3A_1 {offsets = [51, 0], sizes = [1, 6400], strides = [1, 1]} : vector<64x6400xf32> to vector<1x6400xf32>
    %squeeze3A_306 = vector.shape_cast %slice3A_305 : vector<1x6400xf32> to vector<6400xf32>
    %mul3A_307 = arith.mulf %squeeze3A_304, %squeeze3A_306 : vector<6400xf32>
    %add3A_308 = arith.addf %add3A_302, %mul3A_307 : vector<6400xf32>
    %slice3A_309 = vector.extract_strided_slice %get3A_1 {offsets = [52, 0], sizes = [1, 6400], strides = [1, 1]} : vector<64x6400xf32> to vector<1x6400xf32>
    %squeeze3A_310 = vector.shape_cast %slice3A_309 : vector<1x6400xf32> to vector<6400xf32>
    %slice3A_311 = vector.extract_strided_slice %get3A_1 {offsets = [52, 0], sizes = [1, 6400], strides = [1, 1]} : vector<64x6400xf32> to vector<1x6400xf32>
    %squeeze3A_312 = vector.shape_cast %slice3A_311 : vector<1x6400xf32> to vector<6400xf32>
    %mul3A_313 = arith.mulf %squeeze3A_310, %squeeze3A_312 : vector<6400xf32>
    %add3A_314 = arith.addf %add3A_308, %mul3A_313 : vector<6400xf32>
    %slice3A_315 = vector.extract_strided_slice %get3A_1 {offsets = [53, 0], sizes = [1, 6400], strides = [1, 1]} : vector<64x6400xf32> to vector<1x6400xf32>
    %squeeze3A_316 = vector.shape_cast %slice3A_315 : vector<1x6400xf32> to vector<6400xf32>
    %slice3A_317 = vector.extract_strided_slice %get3A_1 {offsets = [53, 0], sizes = [1, 6400], strides = [1, 1]} : vector<64x6400xf32> to vector<1x6400xf32>
    %squeeze3A_318 = vector.shape_cast %slice3A_317 : vector<1x6400xf32> to vector<6400xf32>
    %mul3A_319 = arith.mulf %squeeze3A_316, %squeeze3A_318 : vector<6400xf32>
    %add3A_320 = arith.addf %add3A_314, %mul3A_319 : vector<6400xf32>
    %slice3A_321 = vector.extract_strided_slice %get3A_1 {offsets = [54, 0], sizes = [1, 6400], strides = [1, 1]} : vector<64x6400xf32> to vector<1x6400xf32>
    %squeeze3A_322 = vector.shape_cast %slice3A_321 : vector<1x6400xf32> to vector<6400xf32>
    %slice3A_323 = vector.extract_strided_slice %get3A_1 {offsets = [54, 0], sizes = [1, 6400], strides = [1, 1]} : vector<64x6400xf32> to vector<1x6400xf32>
    %squeeze3A_324 = vector.shape_cast %slice3A_323 : vector<1x6400xf32> to vector<6400xf32>
    %mul3A_325 = arith.mulf %squeeze3A_322, %squeeze3A_324 : vector<6400xf32>
    %add3A_326 = arith.addf %add3A_320, %mul3A_325 : vector<6400xf32>
    %slice3A_327 = vector.extract_strided_slice %get3A_1 {offsets = [55, 0], sizes = [1, 6400], strides = [1, 1]} : vector<64x6400xf32> to vector<1x6400xf32>
    %squeeze3A_328 = vector.shape_cast %slice3A_327 : vector<1x6400xf32> to vector<6400xf32>
    %slice3A_329 = vector.extract_strided_slice %get3A_1 {offsets = [55, 0], sizes = [1, 6400], strides = [1, 1]} : vector<64x6400xf32> to vector<1x6400xf32>
    %squeeze3A_330 = vector.shape_cast %slice3A_329 : vector<1x6400xf32> to vector<6400xf32>
    %mul3A_331 = arith.mulf %squeeze3A_328, %squeeze3A_330 : vector<6400xf32>
    %add3A_332 = arith.addf %add3A_326, %mul3A_331 : vector<6400xf32>
    %slice3A_333 = vector.extract_strided_slice %get3A_1 {offsets = [56, 0], sizes = [1, 6400], strides = [1, 1]} : vector<64x6400xf32> to vector<1x6400xf32>
    %squeeze3A_334 = vector.shape_cast %slice3A_333 : vector<1x6400xf32> to vector<6400xf32>
    %slice3A_335 = vector.extract_strided_slice %get3A_1 {offsets = [56, 0], sizes = [1, 6400], strides = [1, 1]} : vector<64x6400xf32> to vector<1x6400xf32>
    %squeeze3A_336 = vector.shape_cast %slice3A_335 : vector<1x6400xf32> to vector<6400xf32>
    %mul3A_337 = arith.mulf %squeeze3A_334, %squeeze3A_336 : vector<6400xf32>
    %add3A_338 = arith.addf %add3A_332, %mul3A_337 : vector<6400xf32>
    %slice3A_339 = vector.extract_strided_slice %get3A_1 {offsets = [57, 0], sizes = [1, 6400], strides = [1, 1]} : vector<64x6400xf32> to vector<1x6400xf32>
    %squeeze3A_340 = vector.shape_cast %slice3A_339 : vector<1x6400xf32> to vector<6400xf32>
    %slice3A_341 = vector.extract_strided_slice %get3A_1 {offsets = [57, 0], sizes = [1, 6400], strides = [1, 1]} : vector<64x6400xf32> to vector<1x6400xf32>
    %squeeze3A_342 = vector.shape_cast %slice3A_341 : vector<1x6400xf32> to vector<6400xf32>
    %mul3A_343 = arith.mulf %squeeze3A_340, %squeeze3A_342 : vector<6400xf32>
    %add3A_344 = arith.addf %add3A_338, %mul3A_343 : vector<6400xf32>
    %slice3A_345 = vector.extract_strided_slice %get3A_1 {offsets = [58, 0], sizes = [1, 6400], strides = [1, 1]} : vector<64x6400xf32> to vector<1x6400xf32>
    %squeeze3A_346 = vector.shape_cast %slice3A_345 : vector<1x6400xf32> to vector<6400xf32>
    %slice3A_347 = vector.extract_strided_slice %get3A_1 {offsets = [58, 0], sizes = [1, 6400], strides = [1, 1]} : vector<64x6400xf32> to vector<1x6400xf32>
    %squeeze3A_348 = vector.shape_cast %slice3A_347 : vector<1x6400xf32> to vector<6400xf32>
    %mul3A_349 = arith.mulf %squeeze3A_346, %squeeze3A_348 : vector<6400xf32>
    %add3A_350 = arith.addf %add3A_344, %mul3A_349 : vector<6400xf32>
    %slice3A_351 = vector.extract_strided_slice %get3A_1 {offsets = [59, 0], sizes = [1, 6400], strides = [1, 1]} : vector<64x6400xf32> to vector<1x6400xf32>
    %squeeze3A_352 = vector.shape_cast %slice3A_351 : vector<1x6400xf32> to vector<6400xf32>
    %slice3A_353 = vector.extract_strided_slice %get3A_1 {offsets = [59, 0], sizes = [1, 6400], strides = [1, 1]} : vector<64x6400xf32> to vector<1x6400xf32>
    %squeeze3A_354 = vector.shape_cast %slice3A_353 : vector<1x6400xf32> to vector<6400xf32>
    %mul3A_355 = arith.mulf %squeeze3A_352, %squeeze3A_354 : vector<6400xf32>
    %add3A_356 = arith.addf %add3A_350, %mul3A_355 : vector<6400xf32>
    %slice3A_357 = vector.extract_strided_slice %get3A_1 {offsets = [60, 0], sizes = [1, 6400], strides = [1, 1]} : vector<64x6400xf32> to vector<1x6400xf32>
    %squeeze3A_358 = vector.shape_cast %slice3A_357 : vector<1x6400xf32> to vector<6400xf32>
    %slice3A_359 = vector.extract_strided_slice %get3A_1 {offsets = [60, 0], sizes = [1, 6400], strides = [1, 1]} : vector<64x6400xf32> to vector<1x6400xf32>
    %squeeze3A_360 = vector.shape_cast %slice3A_359 : vector<1x6400xf32> to vector<6400xf32>
    %mul3A_361 = arith.mulf %squeeze3A_358, %squeeze3A_360 : vector<6400xf32>
    %add3A_362 = arith.addf %add3A_356, %mul3A_361 : vector<6400xf32>
    %slice3A_363 = vector.extract_strided_slice %get3A_1 {offsets = [61, 0], sizes = [1, 6400], strides = [1, 1]} : vector<64x6400xf32> to vector<1x6400xf32>
    %squeeze3A_364 = vector.shape_cast %slice3A_363 : vector<1x6400xf32> to vector<6400xf32>
    %slice3A_365 = vector.extract_strided_slice %get3A_1 {offsets = [61, 0], sizes = [1, 6400], strides = [1, 1]} : vector<64x6400xf32> to vector<1x6400xf32>
    %squeeze3A_366 = vector.shape_cast %slice3A_365 : vector<1x6400xf32> to vector<6400xf32>
    %mul3A_367 = arith.mulf %squeeze3A_364, %squeeze3A_366 : vector<6400xf32>
    %add3A_368 = arith.addf %add3A_362, %mul3A_367 : vector<6400xf32>
    %slice3A_369 = vector.extract_strided_slice %get3A_1 {offsets = [62, 0], sizes = [1, 6400], strides = [1, 1]} : vector<64x6400xf32> to vector<1x6400xf32>
    %squeeze3A_370 = vector.shape_cast %slice3A_369 : vector<1x6400xf32> to vector<6400xf32>
    %slice3A_371 = vector.extract_strided_slice %get3A_1 {offsets = [62, 0], sizes = [1, 6400], strides = [1, 1]} : vector<64x6400xf32> to vector<1x6400xf32>
    %squeeze3A_372 = vector.shape_cast %slice3A_371 : vector<1x6400xf32> to vector<6400xf32>
    %mul3A_373 = arith.mulf %squeeze3A_370, %squeeze3A_372 : vector<6400xf32>
    %add3A_374 = arith.addf %add3A_368, %mul3A_373 : vector<6400xf32>
    %slice3A_375 = vector.extract_strided_slice %get3A_1 {offsets = [63, 0], sizes = [1, 6400], strides = [1, 1]} : vector<64x6400xf32> to vector<1x6400xf32>
    %squeeze3A_376 = vector.shape_cast %slice3A_375 : vector<1x6400xf32> to vector<6400xf32>
    %slice3A_377 = vector.extract_strided_slice %get3A_1 {offsets = [63, 0], sizes = [1, 6400], strides = [1, 1]} : vector<64x6400xf32> to vector<1x6400xf32>
    %squeeze3A_378 = vector.shape_cast %slice3A_377 : vector<1x6400xf32> to vector<6400xf32>
    %mul3A_379 = arith.mulf %squeeze3A_376, %squeeze3A_378 : vector<6400xf32>
    %add3A_380 = arith.addf %add3A_374, %mul3A_379 : vector<6400xf32>
    %sqrt3A = math.sqrt %add3A_380 : vector<6400xf32>
    %max3A = arith.constant 9.99999996E-13 : f32
    %max3A_381 = vector.broadcast %max3A : f32 to vector<6400xf32>
    %max3A_382 = arith.maximumf %sqrt3A, %max3A_381 : vector<6400xf32>
    %broadcast_in_dim3A = vector.shape_cast %max3A_382 : vector<6400xf32> to vector<1x6400xf32>
    %div3A = vector.broadcast %broadcast_in_dim3A : vector<1x6400xf32> to vector<64x6400xf32>
    %div3A_383 = arith.divf %get3A_1, %div3A : vector<64x6400xf32>
    %swap3A = arith.constant 0 : index
    %swap3A_384 = arith.constant 0 : index
    %swap3A_385 = vector.load %arg1[%swap3A, %swap3A_384] : memref<64x6400xf32, #tpu.memory_space<vmem>>, vector<64x6400xf32>
    tpu.vector_store %arg1[%swap3A, %swap3A_384], %div3A_383 {strides = array<i32>} : memref<64x6400xf32, #tpu.memory_space<vmem>>, vector<64x6400xf32>,
    return
  }
}

module attributes {stable_mosaic.version = 14 : i64} {
  func.func @_feats_kernel(%arg0: i32, %arg1: memref<512x1xf32, #tpu.memory_space<vmem>>, %arg2: memref<512x1xf32, #tpu.memory_space<vmem>>, %arg3: memref<512x1xf32, #tpu.memory_space<vmem>>, %arg4: memref<80x5120xf32, #tpu.memory_space<vmem>>, %arg5: memref<5120x64xf32, #tpu.memory_space<vmem>>, %arg6: memref<512x67xf32, #tpu.memory_space<vmem>>) attributes {dimension_semantics = [#tpu.dimension_semantics<arbitrary>], iteration_bounds = array<i64: 8>, scalar_prefetch = 0 : i64, scratch_operands = 0 : i64, tpu.core_type = #tpu.core_type<tc>, window_params = [{transform_indices = @transform_0, window_bounds = array<i64: 512, 1>}, {transform_indices = @transform_1, window_bounds = array<i64: 512, 1>}, {transform_indices = @transform_2, window_bounds = array<i64: 512, 1>}, {pipeline_mode = #tpu.pipeline_mode<synchronous>, transform_indices = @transform_3, window_bounds = array<i64: 80, 5120>}, {pipeline_mode = #tpu.pipeline_mode<synchronous>, transform_indices = @transform_4, window_bounds = array<i64: 5120, 64>}, {transform_indices = @transform_5, window_bounds = array<i64: 512, 67>}]} {
    %get3A = arith.constant 0 : index
    %get3A_0 = arith.constant 0 : index
    %get3A_1 = vector.load %arg1[%get3A, %get3A_0] : memref<512x1xf32, #tpu.memory_space<vmem>>, vector<512x1xf32>
    %get3A_2 = arith.constant 0 : index
    %get3A_3 = arith.constant 0 : index
    %get3A_4 = vector.load %arg2[%get3A_2, %get3A_3] : memref<512x1xf32, #tpu.memory_space<vmem>>, vector<512x1xf32>
    %mul3A = arith.constant 2.000000e+00 : f32
    %mul3A_5 = vector.broadcast %mul3A : f32 to vector<512x1xf32>
    %mul3A_6 = arith.mulf %mul3A_5, %get3A_1 : vector<512x1xf32>
    %div3A = arith.constant 6.390000e+02 : f32
    %div3A_7 = vector.broadcast %div3A : f32 to vector<512x1xf32>
    %div3A_8 = arith.divf %mul3A_6, %div3A_7 : vector<512x1xf32>
    %sub3A = arith.constant 1.000000e+00 : f32
    %sub3A_9 = vector.broadcast %sub3A : f32 to vector<512x1xf32>
    %sub3A_10 = arith.subf %div3A_8, %sub3A_9 : vector<512x1xf32>
    %add3A = arith.constant 1.000000e+00 : f32
    %add3A_11 = vector.broadcast %add3A : f32 to vector<512x1xf32>
    %add3A_12 = arith.addf %sub3A_10, %add3A_11 : vector<512x1xf32>
    %mul3A_13 = arith.constant 8.000000e+01 : f32
    %mul3A_14 = vector.broadcast %mul3A_13 : f32 to vector<512x1xf32>
    %mul3A_15 = arith.mulf %add3A_12, %mul3A_14 : vector<512x1xf32>
    %sub3A_16 = arith.constant 1.000000e+00 : f32
    %sub3A_17 = vector.broadcast %sub3A_16 : f32 to vector<512x1xf32>
    %sub3A_18 = arith.subf %mul3A_15, %sub3A_17 : vector<512x1xf32>
    %div3A_19 = arith.constant 2.000000e+00 : f32
    %div3A_20 = vector.broadcast %div3A_19 : f32 to vector<512x1xf32>
    %div3A_21 = arith.divf %sub3A_18, %div3A_20 : vector<512x1xf32>
    %floor3A = math.floor %div3A_21 : vector<512x1xf32>
    %convert_element_type3A = arith.fptosi %floor3A : vector<512x1xf32> to vector<512x1xi32>
    %sub3A_22 = arith.subf %div3A_21, %floor3A : vector<512x1xf32>
    %mul3A_23 = arith.constant 2.000000e+00 : f32
    %mul3A_24 = vector.broadcast %mul3A_23 : f32 to vector<512x1xf32>
    %mul3A_25 = arith.mulf %mul3A_24, %get3A_4 : vector<512x1xf32>
    %div3A_26 = arith.constant 6.390000e+02 : f32
    %div3A_27 = vector.broadcast %div3A_26 : f32 to vector<512x1xf32>
    %div3A_28 = arith.divf %mul3A_25, %div3A_27 : vector<512x1xf32>
    %sub3A_29 = arith.constant 1.000000e+00 : f32
    %sub3A_30 = vector.broadcast %sub3A_29 : f32 to vector<512x1xf32>
    %sub3A_31 = arith.subf %div3A_28, %sub3A_30 : vector<512x1xf32>
    %add3A_32 = arith.constant 1.000000e+00 : f32
    %add3A_33 = vector.broadcast %add3A_32 : f32 to vector<512x1xf32>
    %add3A_34 = arith.addf %sub3A_31, %add3A_33 : vector<512x1xf32>
    %mul3A_35 = arith.constant 8.000000e+01 : f32
    %mul3A_36 = vector.broadcast %mul3A_35 : f32 to vector<512x1xf32>
    %mul3A_37 = arith.mulf %add3A_34, %mul3A_36 : vector<512x1xf32>
    %sub3A_38 = arith.constant 1.000000e+00 : f32
    %sub3A_39 = vector.broadcast %sub3A_38 : f32 to vector<512x1xf32>
    %sub3A_40 = arith.subf %mul3A_37, %sub3A_39 : vector<512x1xf32>
    %div3A_41 = arith.constant 2.000000e+00 : f32
    %div3A_42 = vector.broadcast %div3A_41 : f32 to vector<512x1xf32>
    %div3A_43 = arith.divf %sub3A_40, %div3A_42 : vector<512x1xf32>
    %floor3A_44 = math.floor %div3A_43 : vector<512x1xf32>
    %convert_element_type3A_45 = arith.fptosi %floor3A_44 : vector<512x1xf32> to vector<512x1xi32>
    %sub3A_46 = arith.subf %div3A_43, %floor3A_44 : vector<512x1xf32>
    %add3A_47 = arith.constant 1.000000e+00 : f32
    %add3A_48 = vector.broadcast %add3A_47 : f32 to vector<512x1xf32>
    %add3A_49 = arith.addf %sub3A_22, %add3A_48 : vector<512x1xf32>
    %sub3A_50 = arith.constant 1.000000e+00 : f32
    %sub3A_51 = vector.broadcast %sub3A_50 : f32 to vector<512x1xf32>
    %sub3A_52 = arith.subf %sub3A_51, %sub3A_22 : vector<512x1xf32>
    %sub3A_53 = arith.constant 2.000000e+00 : f32
    %sub3A_54 = vector.broadcast %sub3A_53 : f32 to vector<512x1xf32>
    %sub3A_55 = arith.subf %sub3A_54, %sub3A_22 : vector<512x1xf32>
    %integer_pow3A = arith.mulf %add3A_49, %add3A_49 : vector<512x1xf32>
    %integer_pow3A_56 = arith.mulf %add3A_49, %integer_pow3A : vector<512x1xf32>
    %mul3A_57 = arith.constant -7.500000e-01 : f32
    %mul3A_58 = vector.broadcast %mul3A_57 : f32 to vector<512x1xf32>
    %mul3A_59 = arith.mulf %mul3A_58, %integer_pow3A_56 : vector<512x1xf32>
    %integer_pow3A_60 = arith.mulf %add3A_49, %add3A_49 : vector<512x1xf32>
    %mul3A_61 = arith.constant -3.750000e+00 : f32
    %mul3A_62 = vector.broadcast %mul3A_61 : f32 to vector<512x1xf32>
    %mul3A_63 = arith.mulf %mul3A_62, %integer_pow3A_60 : vector<512x1xf32>
    %sub3A_64 = arith.subf %mul3A_59, %mul3A_63 : vector<512x1xf32>
    %mul3A_65 = arith.constant -6.000000e+00 : f32
    %mul3A_66 = vector.broadcast %mul3A_65 : f32 to vector<512x1xf32>
    %mul3A_67 = arith.mulf %mul3A_66, %add3A_49 : vector<512x1xf32>
    %add3A_68 = arith.addf %sub3A_64, %mul3A_67 : vector<512x1xf32>
    %sub3A_69 = arith.constant -3.000000e+00 : f32
    %sub3A_70 = vector.broadcast %sub3A_69 : f32 to vector<512x1xf32>
    %sub3A_71 = arith.subf %add3A_68, %sub3A_70 : vector<512x1xf32>
    %integer_pow3A_72 = arith.mulf %sub3A_22, %sub3A_22 : vector<512x1xf32>
    %integer_pow3A_73 = arith.mulf %sub3A_22, %integer_pow3A_72 : vector<512x1xf32>
    %mul3A_74 = arith.constant 1.250000e+00 : f32
    %mul3A_75 = vector.broadcast %mul3A_74 : f32 to vector<512x1xf32>
    %mul3A_76 = arith.mulf %mul3A_75, %integer_pow3A_73 : vector<512x1xf32>
    %integer_pow3A_77 = arith.mulf %sub3A_22, %sub3A_22 : vector<512x1xf32>
    %mul3A_78 = arith.constant 2.250000e+00 : f32
    %mul3A_79 = vector.broadcast %mul3A_78 : f32 to vector<512x1xf32>
    %mul3A_80 = arith.mulf %mul3A_79, %integer_pow3A_77 : vector<512x1xf32>
    %sub3A_81 = arith.subf %mul3A_76, %mul3A_80 : vector<512x1xf32>
    %add3A_82 = arith.constant 1.000000e+00 : f32
    %add3A_83 = vector.broadcast %add3A_82 : f32 to vector<512x1xf32>
    %add3A_84 = arith.addf %sub3A_81, %add3A_83 : vector<512x1xf32>
    %integer_pow3A_85 = arith.mulf %sub3A_52, %sub3A_52 : vector<512x1xf32>
    %integer_pow3A_86 = arith.mulf %sub3A_52, %integer_pow3A_85 : vector<512x1xf32>
    %mul3A_87 = arith.constant 1.250000e+00 : f32
    %mul3A_88 = vector.broadcast %mul3A_87 : f32 to vector<512x1xf32>
    %mul3A_89 = arith.mulf %mul3A_88, %integer_pow3A_86 : vector<512x1xf32>
    %integer_pow3A_90 = arith.mulf %sub3A_52, %sub3A_52 : vector<512x1xf32>
    %mul3A_91 = arith.constant 2.250000e+00 : f32
    %mul3A_92 = vector.broadcast %mul3A_91 : f32 to vector<512x1xf32>
    %mul3A_93 = arith.mulf %mul3A_92, %integer_pow3A_90 : vector<512x1xf32>
    %sub3A_94 = arith.subf %mul3A_89, %mul3A_93 : vector<512x1xf32>
    %add3A_95 = arith.constant 1.000000e+00 : f32
    %add3A_96 = vector.broadcast %add3A_95 : f32 to vector<512x1xf32>
    %add3A_97 = arith.addf %sub3A_94, %add3A_96 : vector<512x1xf32>
    %integer_pow3A_98 = arith.mulf %sub3A_55, %sub3A_55 : vector<512x1xf32>
    %integer_pow3A_99 = arith.mulf %sub3A_55, %integer_pow3A_98 : vector<512x1xf32>
    %mul3A_100 = arith.constant -7.500000e-01 : f32
    %mul3A_101 = vector.broadcast %mul3A_100 : f32 to vector<512x1xf32>
    %mul3A_102 = arith.mulf %mul3A_101, %integer_pow3A_99 : vector<512x1xf32>
    %integer_pow3A_103 = arith.mulf %sub3A_55, %sub3A_55 : vector<512x1xf32>
    %mul3A_104 = arith.constant -3.750000e+00 : f32
    %mul3A_105 = vector.broadcast %mul3A_104 : f32 to vector<512x1xf32>
    %mul3A_106 = arith.mulf %mul3A_105, %integer_pow3A_103 : vector<512x1xf32>
    %sub3A_107 = arith.subf %mul3A_102, %mul3A_106 : vector<512x1xf32>
    %mul3A_108 = arith.constant -6.000000e+00 : f32
    %mul3A_109 = vector.broadcast %mul3A_108 : f32 to vector<512x1xf32>
    %mul3A_110 = arith.mulf %mul3A_109, %sub3A_55 : vector<512x1xf32>
    %add3A_111 = arith.addf %sub3A_107, %mul3A_110 : vector<512x1xf32>
    %sub3A_112 = arith.constant -3.000000e+00 : f32
    %sub3A_113 = vector.broadcast %sub3A_112 : f32 to vector<512x1xf32>
    %sub3A_114 = arith.subf %add3A_111, %sub3A_113 : vector<512x1xf32>
    %add3A_115 = arith.constant 1.000000e+00 : f32
    %add3A_116 = vector.broadcast %add3A_115 : f32 to vector<512x1xf32>
    %add3A_117 = arith.addf %sub3A_46, %add3A_116 : vector<512x1xf32>
    %sub3A_118 = arith.constant 1.000000e+00 : f32
    %sub3A_119 = vector.broadcast %sub3A_118 : f32 to vector<512x1xf32>
    %sub3A_120 = arith.subf %sub3A_119, %sub3A_46 : vector<512x1xf32>
    %sub3A_121 = arith.constant 2.000000e+00 : f32
    %sub3A_122 = vector.broadcast %sub3A_121 : f32 to vector<512x1xf32>
    %sub3A_123 = arith.subf %sub3A_122, %sub3A_46 : vector<512x1xf32>
    %integer_pow3A_124 = arith.mulf %add3A_117, %add3A_117 : vector<512x1xf32>
    %integer_pow3A_125 = arith.mulf %add3A_117, %integer_pow3A_124 : vector<512x1xf32>
    %mul3A_126 = arith.constant -7.500000e-01 : f32
    %mul3A_127 = vector.broadcast %mul3A_126 : f32 to vector<512x1xf32>
    %mul3A_128 = arith.mulf %mul3A_127, %integer_pow3A_125 : vector<512x1xf32>
    %integer_pow3A_129 = arith.mulf %add3A_117, %add3A_117 : vector<512x1xf32>
    %mul3A_130 = arith.constant -3.750000e+00 : f32
    %mul3A_131 = vector.broadcast %mul3A_130 : f32 to vector<512x1xf32>
    %mul3A_132 = arith.mulf %mul3A_131, %integer_pow3A_129 : vector<512x1xf32>
    %sub3A_133 = arith.subf %mul3A_128, %mul3A_132 : vector<512x1xf32>
    %mul3A_134 = arith.constant -6.000000e+00 : f32
    %mul3A_135 = vector.broadcast %mul3A_134 : f32 to vector<512x1xf32>
    %mul3A_136 = arith.mulf %mul3A_135, %add3A_117 : vector<512x1xf32>
    %add3A_137 = arith.addf %sub3A_133, %mul3A_136 : vector<512x1xf32>
    %sub3A_138 = arith.constant -3.000000e+00 : f32
    %sub3A_139 = vector.broadcast %sub3A_138 : f32 to vector<512x1xf32>
    %sub3A_140 = arith.subf %add3A_137, %sub3A_139 : vector<512x1xf32>
    %integer_pow3A_141 = arith.mulf %sub3A_46, %sub3A_46 : vector<512x1xf32>
    %integer_pow3A_142 = arith.mulf %sub3A_46, %integer_pow3A_141 : vector<512x1xf32>
    %mul3A_143 = arith.constant 1.250000e+00 : f32
    %mul3A_144 = vector.broadcast %mul3A_143 : f32 to vector<512x1xf32>
    %mul3A_145 = arith.mulf %mul3A_144, %integer_pow3A_142 : vector<512x1xf32>
    %integer_pow3A_146 = arith.mulf %sub3A_46, %sub3A_46 : vector<512x1xf32>
    %mul3A_147 = arith.constant 2.250000e+00 : f32
    %mul3A_148 = vector.broadcast %mul3A_147 : f32 to vector<512x1xf32>
    %mul3A_149 = arith.mulf %mul3A_148, %integer_pow3A_146 : vector<512x1xf32>
    %sub3A_150 = arith.subf %mul3A_145, %mul3A_149 : vector<512x1xf32>
    %add3A_151 = arith.constant 1.000000e+00 : f32
    %add3A_152 = vector.broadcast %add3A_151 : f32 to vector<512x1xf32>
    %add3A_153 = arith.addf %sub3A_150, %add3A_152 : vector<512x1xf32>
    %integer_pow3A_154 = arith.mulf %sub3A_120, %sub3A_120 : vector<512x1xf32>
    %integer_pow3A_155 = arith.mulf %sub3A_120, %integer_pow3A_154 : vector<512x1xf32>
    %mul3A_156 = arith.constant 1.250000e+00 : f32
    %mul3A_157 = vector.broadcast %mul3A_156 : f32 to vector<512x1xf32>
    %mul3A_158 = arith.mulf %mul3A_157, %integer_pow3A_155 : vector<512x1xf32>
    %integer_pow3A_159 = arith.mulf %sub3A_120, %sub3A_120 : vector<512x1xf32>
    %mul3A_160 = arith.constant 2.250000e+00 : f32
    %mul3A_161 = vector.broadcast %mul3A_160 : f32 to vector<512x1xf32>
    %mul3A_162 = arith.mulf %mul3A_161, %integer_pow3A_159 : vector<512x1xf32>
    %sub3A_163 = arith.subf %mul3A_158, %mul3A_162 : vector<512x1xf32>
    %add3A_164 = arith.constant 1.000000e+00 : f32
    %add3A_165 = vector.broadcast %add3A_164 : f32 to vector<512x1xf32>
    %add3A_166 = arith.addf %sub3A_163, %add3A_165 : vector<512x1xf32>
    %integer_pow3A_167 = arith.mulf %sub3A_123, %sub3A_123 : vector<512x1xf32>
    %integer_pow3A_168 = arith.mulf %sub3A_123, %integer_pow3A_167 : vector<512x1xf32>
    %mul3A_169 = arith.constant -7.500000e-01 : f32
    %mul3A_170 = vector.broadcast %mul3A_169 : f32 to vector<512x1xf32>
    %mul3A_171 = arith.mulf %mul3A_170, %integer_pow3A_168 : vector<512x1xf32>
    %integer_pow3A_172 = arith.mulf %sub3A_123, %sub3A_123 : vector<512x1xf32>
    %mul3A_173 = arith.constant -3.750000e+00 : f32
    %mul3A_174 = vector.broadcast %mul3A_173 : f32 to vector<512x1xf32>
    %mul3A_175 = arith.mulf %mul3A_174, %integer_pow3A_172 : vector<512x1xf32>
    %sub3A_176 = arith.subf %mul3A_171, %mul3A_175 : vector<512x1xf32>
    %mul3A_177 = arith.constant -6.000000e+00 : f32
    %mul3A_178 = vector.broadcast %mul3A_177 : f32 to vector<512x1xf32>
    %mul3A_179 = arith.mulf %mul3A_178, %sub3A_123 : vector<512x1xf32>
    %add3A_180 = arith.addf %sub3A_176, %mul3A_179 : vector<512x1xf32>
    %sub3A_181 = arith.constant -3.000000e+00 : f32
    %sub3A_182 = vector.broadcast %sub3A_181 : f32 to vector<512x1xf32>
    %sub3A_183 = arith.subf %add3A_180, %sub3A_182 : vector<512x1xf32>
    %iota3A = tpu.iota {dimensions = array<i32: 1>} : vector<512x80xi32>
    %broadcast_in_dim3A = arith.constant 0.000000e+00 : f32
    %broadcast_in_dim3A_184 = vector.broadcast %broadcast_in_dim3A : f32 to vector<512x80xf32>
    %add3A_185 = arith.constant -1 : i32
    %add3A_186 = vector.broadcast %add3A_185 : i32 to vector<512x1xi32>
    %add3A_187 = arith.addi %convert_element_type3A_45, %add3A_186 : vector<512x1xi32>
    %eq3A = vector.broadcast %add3A_187 : vector<512x1xi32> to vector<512x80xi32>
    %eq3A_188 = arith.cmpi eq, %iota3A, %eq3A : vector<512x80xi32>
    %jit3A = arith.constant 0.000000e+00 : f32
    %broadcast_in_dim3A_189 = vector.shape_cast %sub3A_140 : vector<512x1xf32> to vector<512x1xf32>
    %broadcast_in_dim3A_190 = vector.broadcast %broadcast_in_dim3A_189 : vector<512x1xf32> to vector<512x80xf32>
    %broadcast_in_dim3A_191 = vector.broadcast %jit3A : f32 to vector<512x80xf32>
    %select_n3A = arith.select %eq3A_188, %broadcast_in_dim3A_190, %broadcast_in_dim3A_191 : vector<512x80xi1>, vector<512x80xf32>
    %add3A_192 = arith.addf %broadcast_in_dim3A_184, %select_n3A : vector<512x80xf32>
    %add3A_193 = arith.constant 0 : i32
    %add3A_194 = vector.broadcast %add3A_193 : i32 to vector<512x1xi32>
    %add3A_195 = arith.addi %convert_element_type3A_45, %add3A_194 : vector<512x1xi32>
    %eq3A_196 = vector.broadcast %add3A_195 : vector<512x1xi32> to vector<512x80xi32>
    %eq3A_197 = arith.cmpi eq, %iota3A, %eq3A_196 : vector<512x80xi32>
    %jit3A_198 = arith.constant 0.000000e+00 : f32
    %broadcast_in_dim3A_199 = vector.shape_cast %add3A_153 : vector<512x1xf32> to vector<512x1xf32>
    %broadcast_in_dim3A_200 = vector.broadcast %broadcast_in_dim3A_199 : vector<512x1xf32> to vector<512x80xf32>
    %broadcast_in_dim3A_201 = vector.broadcast %jit3A_198 : f32 to vector<512x80xf32>
    %select_n3A_202 = arith.select %eq3A_197, %broadcast_in_dim3A_200, %broadcast_in_dim3A_201 : vector<512x80xi1>, vector<512x80xf32>
    %add3A_203 = arith.addf %add3A_192, %select_n3A_202 : vector<512x80xf32>
    %add3A_204 = arith.constant 1 : i32
    %add3A_205 = vector.broadcast %add3A_204 : i32 to vector<512x1xi32>
    %add3A_206 = arith.addi %convert_element_type3A_45, %add3A_205 : vector<512x1xi32>
    %eq3A_207 = vector.broadcast %add3A_206 : vector<512x1xi32> to vector<512x80xi32>
    %eq3A_208 = arith.cmpi eq, %iota3A, %eq3A_207 : vector<512x80xi32>
    %jit3A_209 = arith.constant 0.000000e+00 : f32
    %broadcast_in_dim3A_210 = vector.shape_cast %add3A_166 : vector<512x1xf32> to vector<512x1xf32>
    %broadcast_in_dim3A_211 = vector.broadcast %broadcast_in_dim3A_210 : vector<512x1xf32> to vector<512x80xf32>
    %broadcast_in_dim3A_212 = vector.broadcast %jit3A_209 : f32 to vector<512x80xf32>
    %select_n3A_213 = arith.select %eq3A_208, %broadcast_in_dim3A_211, %broadcast_in_dim3A_212 : vector<512x80xi1>, vector<512x80xf32>
    %add3A_214 = arith.addf %add3A_203, %select_n3A_213 : vector<512x80xf32>
    %add3A_215 = arith.constant 2 : i32
    %add3A_216 = vector.broadcast %add3A_215 : i32 to vector<512x1xi32>
    %add3A_217 = arith.addi %convert_element_type3A_45, %add3A_216 : vector<512x1xi32>
    %eq3A_218 = vector.broadcast %add3A_217 : vector<512x1xi32> to vector<512x80xi32>
    %eq3A_219 = arith.cmpi eq, %iota3A, %eq3A_218 : vector<512x80xi32>
    %jit3A_220 = arith.constant 0.000000e+00 : f32
    %broadcast_in_dim3A_221 = vector.shape_cast %sub3A_183 : vector<512x1xf32> to vector<512x1xf32>
    %broadcast_in_dim3A_222 = vector.broadcast %broadcast_in_dim3A_221 : vector<512x1xf32> to vector<512x80xf32>
    %broadcast_in_dim3A_223 = vector.broadcast %jit3A_220 : f32 to vector<512x80xf32>
    %select_n3A_224 = arith.select %eq3A_219, %broadcast_in_dim3A_222, %broadcast_in_dim3A_223 : vector<512x80xi1>, vector<512x80xf32>
    %add3A_225 = arith.addf %add3A_214, %select_n3A_224 : vector<512x80xf32>
    %get3A_226 = arith.constant 0 : index
    %get3A_227 = arith.constant 0 : index
    %get3A_228 = vector.load %arg4[%get3A_226, %get3A_227] : memref<80x5120xf32, #tpu.memory_space<vmem>>, vector<80x5120xf32>
    %dot_general3A = arith.constant dense<0.000000e+00> : vector<512x5120xf32>
    %dot_general3A_229 = tpu.matmul %add3A_225, %get3A_228, %dot_general3A {dimension_numbers = #tpu.dot_dimension_numbers<[1], [0], [0], [1], [0, 0, 1, 1], [], []>, precision = #tpu.contract_precision<fp32>, transpose_lhs_hint = false} : vector<512x80xf32>, vector<80x5120xf32>, vector<512x5120xf32> -> vector<512x5120xf32>
    %iota3A_230 = tpu.iota {dimensions = array<i32: 1>} : vector<512x5120xi32>
    %jit3A_231 = arith.constant 64 : i32
    %div3A_232 = vector.broadcast %jit3A_231 : i32 to vector<512x5120xi32>
    %div3A_233 = arith.divsi %iota3A_230, %div3A_232 : vector<512x5120xi32>
    %sign3A = arith.constant 0 : i32
    %sign3A_234 = vector.broadcast %sign3A : i32 to vector<512x5120xi32>
    %sign3A_235 = arith.cmpi sgt, %iota3A_230, %sign3A_234 : vector<512x5120xi32>
    %sign3A_236 = arith.extui %sign3A_235 : vector<512x5120xi1> to vector<512x5120xi32>
    %sign3A_237 = arith.constant 0 : i32
    %sign3A_238 = vector.broadcast %sign3A_237 : i32 to vector<512x5120xi32>
    %sign3A_239 = arith.cmpi slt, %iota3A_230, %sign3A_238 : vector<512x5120xi32>
    %sign3A_240 = arith.extui %sign3A_239 : vector<512x5120xi1> to vector<512x5120xi32>
    %sign3A_241 = arith.subi %sign3A_236, %sign3A_240 : vector<512x5120xi32>
    %sign3A_242 = arith.constant 0 : i32
    %sign3A_243 = arith.cmpi sgt, %jit3A_231, %sign3A_242 : i32
    %sign3A_244 = arith.extui %sign3A_243 : i1 to i32
    %sign3A_245 = arith.constant 0 : i32
    %sign3A_246 = arith.cmpi slt, %jit3A_231, %sign3A_245 : i32
    %sign3A_247 = arith.extui %sign3A_246 : i1 to i32
    %sign3A_248 = arith.subi %sign3A_244, %sign3A_247 : i32
    %ne3A = vector.broadcast %sign3A_248 : i32 to vector<512x5120xi32>
    %ne3A_249 = arith.cmpi ne, %sign3A_241, %ne3A : vector<512x5120xi32>
    %rem3A = vector.broadcast %jit3A_231 : i32 to vector<512x5120xi32>
    %rem3A_250 = arith.remsi %iota3A_230, %rem3A : vector<512x5120xi32>
    %ne3A_251 = arith.constant 0 : i32
    %ne3A_252 = vector.broadcast %ne3A_251 : i32 to vector<512x5120xi32>
    %ne3A_253 = arith.cmpi ne, %rem3A_250, %ne3A_252 : vector<512x5120xi32>
    %and3A = arith.andi %ne3A_249, %ne3A_253 : vector<512x5120xi1>
    %sub3A_254 = arith.constant 1 : i32
    %sub3A_255 = vector.broadcast %sub3A_254 : i32 to vector<512x5120xi32>
    %sub3A_256 = arith.subi %div3A_233, %sub3A_255 : vector<512x5120xi32>
    %select_n3A_257 = arith.select %and3A, %sub3A_256, %div3A_233 : vector<512x5120xi1>, vector<512x5120xi32>
    %broadcast_in_dim3A_258 = arith.constant 0.000000e+00 : f32
    %broadcast_in_dim3A_259 = vector.broadcast %broadcast_in_dim3A_258 : f32 to vector<512x5120xf32>
    %add3A_260 = arith.constant -1 : i32
    %add3A_261 = vector.broadcast %add3A_260 : i32 to vector<512x1xi32>
    %add3A_262 = arith.addi %convert_element_type3A, %add3A_261 : vector<512x1xi32>
    %eq3A_263 = vector.broadcast %add3A_262 : vector<512x1xi32> to vector<512x5120xi32>
    %eq3A_264 = arith.cmpi eq, %select_n3A_257, %eq3A_263 : vector<512x5120xi32>
    %jit3A_265 = arith.constant 0.000000e+00 : f32
    %broadcast_in_dim3A_266 = vector.shape_cast %sub3A_71 : vector<512x1xf32> to vector<512x1xf32>
    %broadcast_in_dim3A_267 = vector.broadcast %broadcast_in_dim3A_266 : vector<512x1xf32> to vector<512x5120xf32>
    %broadcast_in_dim3A_268 = vector.broadcast %jit3A_265 : f32 to vector<512x5120xf32>
    %select_n3A_269 = arith.select %eq3A_264, %broadcast_in_dim3A_267, %broadcast_in_dim3A_268 : vector<512x5120xi1>, vector<512x5120xf32>
    %add3A_270 = arith.addf %broadcast_in_dim3A_259, %select_n3A_269 : vector<512x5120xf32>
    %add3A_271 = arith.constant 0 : i32
    %add3A_272 = vector.broadcast %add3A_271 : i32 to vector<512x1xi32>
    %add3A_273 = arith.addi %convert_element_type3A, %add3A_272 : vector<512x1xi32>
    %eq3A_274 = vector.broadcast %add3A_273 : vector<512x1xi32> to vector<512x5120xi32>
    %eq3A_275 = arith.cmpi eq, %select_n3A_257, %eq3A_274 : vector<512x5120xi32>
    %jit3A_276 = arith.constant 0.000000e+00 : f32
    %broadcast_in_dim3A_277 = vector.shape_cast %add3A_84 : vector<512x1xf32> to vector<512x1xf32>
    %broadcast_in_dim3A_278 = vector.broadcast %broadcast_in_dim3A_277 : vector<512x1xf32> to vector<512x5120xf32>
    %broadcast_in_dim3A_279 = vector.broadcast %jit3A_276 : f32 to vector<512x5120xf32>
    %select_n3A_280 = arith.select %eq3A_275, %broadcast_in_dim3A_278, %broadcast_in_dim3A_279 : vector<512x5120xi1>, vector<512x5120xf32>
    %add3A_281 = arith.addf %add3A_270, %select_n3A_280 : vector<512x5120xf32>
    %add3A_282 = arith.constant 1 : i32
    %add3A_283 = vector.broadcast %add3A_282 : i32 to vector<512x1xi32>
    %add3A_284 = arith.addi %convert_element_type3A, %add3A_283 : vector<512x1xi32>
    %eq3A_285 = vector.broadcast %add3A_284 : vector<512x1xi32> to vector<512x5120xi32>
    %eq3A_286 = arith.cmpi eq, %select_n3A_257, %eq3A_285 : vector<512x5120xi32>
    %jit3A_287 = arith.constant 0.000000e+00 : f32
    %broadcast_in_dim3A_288 = vector.shape_cast %add3A_97 : vector<512x1xf32> to vector<512x1xf32>
    %broadcast_in_dim3A_289 = vector.broadcast %broadcast_in_dim3A_288 : vector<512x1xf32> to vector<512x5120xf32>
    %broadcast_in_dim3A_290 = vector.broadcast %jit3A_287 : f32 to vector<512x5120xf32>
    %select_n3A_291 = arith.select %eq3A_286, %broadcast_in_dim3A_289, %broadcast_in_dim3A_290 : vector<512x5120xi1>, vector<512x5120xf32>
    %add3A_292 = arith.addf %add3A_281, %select_n3A_291 : vector<512x5120xf32>
    %add3A_293 = arith.constant 2 : i32
    %add3A_294 = vector.broadcast %add3A_293 : i32 to vector<512x1xi32>
    %add3A_295 = arith.addi %convert_element_type3A, %add3A_294 : vector<512x1xi32>
    %eq3A_296 = vector.broadcast %add3A_295 : vector<512x1xi32> to vector<512x5120xi32>
    %eq3A_297 = arith.cmpi eq, %select_n3A_257, %eq3A_296 : vector<512x5120xi32>
    %jit3A_298 = arith.constant 0.000000e+00 : f32
    %broadcast_in_dim3A_299 = vector.shape_cast %sub3A_114 : vector<512x1xf32> to vector<512x1xf32>
    %broadcast_in_dim3A_300 = vector.broadcast %broadcast_in_dim3A_299 : vector<512x1xf32> to vector<512x5120xf32>
    %broadcast_in_dim3A_301 = vector.broadcast %jit3A_298 : f32 to vector<512x5120xf32>
    %select_n3A_302 = arith.select %eq3A_297, %broadcast_in_dim3A_300, %broadcast_in_dim3A_301 : vector<512x5120xi1>, vector<512x5120xf32>
    %add3A_303 = arith.addf %add3A_292, %select_n3A_302 : vector<512x5120xf32>
    %mul3A_304 = arith.mulf %dot_general3A_229, %add3A_303 : vector<512x5120xf32>
    %get3A_305 = arith.constant 0 : index
    %get3A_306 = arith.constant 0 : index
    %get3A_307 = vector.load %arg5[%get3A_305, %get3A_306] : memref<5120x64xf32, #tpu.memory_space<vmem>>, vector<5120x64xf32>
    %dot_general3A_308 = arith.constant dense<0.000000e+00> : vector<512x64xf32>
    %dot_general3A_309 = tpu.matmul %mul3A_304, %get3A_307, %dot_general3A_308 {dimension_numbers = #tpu.dot_dimension_numbers<[1], [0], [0], [1], [0, 0, 1, 1], [], []>, precision = #tpu.contract_precision<fp32>, transpose_lhs_hint = false} : vector<512x5120xf32>, vector<5120x64xf32>, vector<512x64xf32> -> vector<512x64xf32>
    %mul3A_310 = arith.mulf %dot_general3A_309, %dot_general3A_309 : vector<512x64xf32>
    %reduce_sum3A = arith.constant dense<0.000000e+00> : vector<512xf32>
    %reduce_sum3A_311 = vector.multi_reduction <add>, %mul3A_310, %reduce_sum3A [1] : vector<512x64xf32> to vector<512xf32>
    %broadcast_in_dim3A_312 = vector.shape_cast %reduce_sum3A_311 : vector<512xf32> to vector<512x1xf32>
    %sqrt3A = math.sqrt %broadcast_in_dim3A_312 : vector<512x1xf32>
    %max3A = arith.constant 9.99999996E-13 : f32
    %max3A_313 = vector.broadcast %max3A : f32 to vector<512x1xf32>
    %max3A_314 = arith.maximumf %sqrt3A, %max3A_313 : vector<512x1xf32>
    %div3A_315 = vector.broadcast %max3A_314 : vector<512x1xf32> to vector<512x64xf32>
    %div3A_316 = arith.divf %dot_general3A_309, %div3A_315 : vector<512x64xf32>
    %swap3A = arith.constant 0 : index
    %swap3A_317 = arith.constant 0 : index
    %swap3A_318 = vector.load %arg6[%swap3A, %swap3A_317] : memref<512x67xf32, #tpu.memory_space<vmem>>, vector<512x1xf32>
    tpu.vector_store %arg6[%swap3A, %swap3A_317], %get3A_1 {strides = array<i32>} : memref<512x67xf32, #tpu.memory_space<vmem>>, vector<512x1xf32>,
    %swap3A_319 = arith.constant 0 : index
    %swap3A_320 = arith.constant 1 : index
    %swap3A_321 = vector.load %arg6[%swap3A_319, %swap3A_320] : memref<512x67xf32, #tpu.memory_space<vmem>>, vector<512x1xf32>
    tpu.vector_store %arg6[%swap3A_319, %swap3A_320], %get3A_4 {strides = array<i32>} : memref<512x67xf32, #tpu.memory_space<vmem>>, vector<512x1xf32>,
    %get3A_322 = arith.constant 0 : index
    %get3A_323 = arith.constant 0 : index
    %get3A_324 = vector.load %arg3[%get3A_322, %get3A_323] : memref<512x1xf32, #tpu.memory_space<vmem>>, vector<512x1xf32>
    %swap3A_325 = arith.constant 0 : index
    %swap3A_326 = arith.constant 2 : index
    %swap3A_327 = vector.load %arg6[%swap3A_325, %swap3A_326] : memref<512x67xf32, #tpu.memory_space<vmem>>, vector<512x1xf32>
    tpu.vector_store %arg6[%swap3A_325, %swap3A_326], %get3A_324 {strides = array<i32>} : memref<512x67xf32, #tpu.memory_space<vmem>>, vector<512x1xf32>,
    %swap3A_328 = arith.constant 0 : index
    %swap3A_329 = arith.constant 3 : index
    %swap3A_330 = vector.load %arg6[%swap3A_328, %swap3A_329] : memref<512x67xf32, #tpu.memory_space<vmem>>, vector<512x64xf32>
    tpu.vector_store %arg6[%swap3A_328, %swap3A_329], %div3A_316 {strides = array<i32>} : memref<512x67xf32, #tpu.memory_space<vmem>>, vector<512x64xf32>,
    return
  }
  func.func @transform_0(%arg0: i32) -> (i32, i32) {
    %c0_i32 = arith.constant 0 : i32
    %c0_i32_0 = arith.constant 0 : i32
    return %arg0, %c0_i32 : i32, i32
  }
  func.func @transform_1(%arg0: i32) -> (i32, i32) {
    %c0_i32 = arith.constant 0 : i32
    %c0_i32_0 = arith.constant 0 : i32
    return %arg0, %c0_i32 : i32, i32
  }
  func.func @transform_2(%arg0: i32) -> (i32, i32) {
    %c0_i32 = arith.constant 0 : i32
    %c0_i32_0 = arith.constant 0 : i32
    return %arg0, %c0_i32 : i32, i32
  }
  func.func @transform_3(%arg0: i32) -> (i32, i32) {
    %c0_i32 = arith.constant 0 : i32
    %c0_i32_0 = arith.constant 0 : i32
    %c0_i32_1 = arith.constant 0 : i32
    return %c0_i32, %c0_i32_0 : i32, i32
  }
  func.func @transform_4(%arg0: i32) -> (i32, i32) {
    %c0_i32 = arith.constant 0 : i32
    %c0_i32_0 = arith.constant 0 : i32
    %c0_i32_1 = arith.constant 0 : i32
    return %c0_i32, %c0_i32_0 : i32, i32
  }
  func.func @transform_5(%arg0: i32) -> (i32, i32) {
    %c0_i32 = arith.constant 0 : i32
    %c0_i32_0 = arith.constant 0 : i32
    return %arg0, %c0_i32 : i32, i32
  }
}

</mosaic_0001>

<sc_bundles>
// kernel: gather_offload_async_start.1
scs
__scs_entry_jumppad:
0x0: {  	(pc) =	sbr.rel $0x88, $3  }
0x1: {  	(tag) =	ssettag $0x0;
	lr =	simm.s32 $0x1  }
0x2: {  	[smem:$0x3F9E] =	sst lr;
	_ =	strace $0xD0000000  }
0x3: {  	_ = 	snop  }
0x4: {  	_ = 	snop  }
0x5: {  	_ = 	snop  }
0x6: {  	_ = 	snop  }
0x7: {  	_ = 	snop  }
__scs_overlays_trampoline_lowered:
0x8: {  	[smem:$0x3FAD] =	sst s0  }
0x9: {  	[smem:$0x3FAE] =	sst s1  }
0xa: {  	[smem:$0x3FAF] =	sst s2  }
0xb: {  	[smem:$0x3FB0] =	sst s3  }
0xc: {  	[smem:$0x3FB1] =	sst s4  }
0xd: {  	[smem:$0x3FB2] =	sst s5  }
0xe: {  	[smem:$0x3FB3] =	sst s6  }
0xf: {  	[smem:$0x3FB4] =	sst s7  }
0x10: {  	[smem:$0x3FB5] =	sst s8  }
0x11: {  	[smem:$0x3FB6] =	sst s9;
	s0 =	simm.s32 @!p0 $0x0  }
0x12: {  	s1 =	sld [smem:$0x3F9C];
	s0 =	simm.s32 @p0 $0x1  }
0x13: {  	[smem:$0x3FB7] =	sst s0;
	s0 =	simm.s32 @!p1 $0x0  }
0x14: {  	s2 =	sld [smem:$0x3F9B];
	s0 =	simm.s32 @p1 $0x1  }
0x15: {  	[smem:$0x3FB8] =	sst s0;
	s0 =	simm.s32 @!p2 $0x0  }
0x16: {  	s3 =	sld [smem:$0x3FDB];
	s0 =	simm.s32 @p2 $0x1  }
0x17: {  	s4 =	simm.s32 $0x1BF5;
	[smem:$0x3FBA] =	sst s0  }
0x18: {  	s0 =	sld [smem:$0x3F9D];
	_ =	swait.ge [sflag:s4], $0x0  }
0x19: {  	s7 =	sld [smem:$0x3F9E]  }
0x1a: {  	s8 =	sadd.s32 $0xFFFFE003, lr  }
0x1b: {  	s9 =	sadd.s32 $0xFFFFFEF7, lr;
	s5 =	simm.s32 $0xFFFFFFFF;
	p2 =	slt.u32 s8, $0xFFFFF086  }
0x1c: {  	p1 =	slt.u32 s9, $0xF7A;
	s5 =	simm.s32 @!p2 $0x0  }
0x1d: {  	s5 =	simm.s32 @p1 $0x1;
	p0 =	seq.s32 s7, s2  }
0x1e: {  	s7 =	smul.u32 @!p0 $0xF7A, s2;
	p2 =	seq.s32 @!p0 s5, $0x0  }
0x1f: {  	s9 =	smul.u32 $0xF7A, s1;
	s8 =	simm.s32 @!p0 $0x1BF5;
	p2 =	por !p2, p0  }
0x20: {  	[sflag:s8] =	ssyncset.s32 @!p0 $0xFFFFF086;
	s6 =	sadd.s32 @!p0 s3, s7;
	s7 =	simm.s32 @!p0 $0x108  }
0x21: {  	s3 =	sadd.s32 s3, s9;
	s6 =	sadd.s32 @!p0 $0x88, s6;
	s7 =	simm.s32 @p2 $0x1082  }
0x22: {  	[simem:s7], [sflag:s8] =	dma.local @!p0 [hbm:s6], $0xF7A  }
0x23: {  	s9 =	sor.u32 $0xD0000000, s2;
	s6 =	simm.s32 $0x108;
	_ =	swait.ge @!p0 [sflag:s8], $0x0  }
0x24: {  	s3 =	sadd.s32 $0x88, s3;
	s6 =	simm.s32 @!p1 $0x1082;
	[sflag:s4] =	ssyncset.s32 $0xFFFFF086  }
0x25: {  	[simem:s6], [sflag:s4] =	dma.local [hbm:s3], $0xF7A  }
0x26: {  	[smem:$0x3F9E] =	sst s1;
	(tag) =	ssettag s2;
	_ =	strace s9  }
0x27: {  	s1 =	sld [smem:$0x3FAE]  }
0x28: {  	s2 =	sld [smem:$0x3FAF]  }
0x29: {  	s4 =	sld [smem:$0x3FB1]  }
0x2a: {  	p0 =	seq.s32 s5, $0x0;
	s5 =	sld [smem:$0x3FB2]  }
0x2b: {  	s6 =	sld [smem:$0x3FB3]  }
0x2c: {  	s7 =	sld [smem:$0x3FB4]  }
0x2d: {  	s3 =	simm.s32 $0x108;
	s8 =	sld [smem:$0x3FB5]  }
0x2e: {  	s3 =	simm.s32 @!p0 $0x1082;
	s9 =	sld [smem:$0x3FB6]  }
0x2f: {  	lr =	sadd.s32 s0, s3;
	s0 =	sld [smem:$0x3FAD]  }
0x30: {  	s3 =	sld [smem:$0x3FB0]  }
0x31: {  	[smem:$0x3FB9] =	sst s10  }
0x32: {  	s10 =	sld [smem:$0x3FB7];
	_ =	sdelay $0x3  }
0x33: {  	p0 =	seq.s32 s10, $0x1;
	s10 =	sld [smem:$0x3FB9];
	_ =	sdelay $0x3  }
0x34: {  	[smem:$0x3FB9] =	sst s10  }
0x35: {  	s10 =	sld [smem:$0x3FB8];
	_ =	sdelay $0x3  }
0x36: {  	p1 =	seq.s32 s10, $0x1;
	s10 =	sld [smem:$0x3FB9];
	_ =	sdelay $0x3  }
0x37: {  	[smem:$0x3FB9] =	sst s10  }
0x38: {  	s10 =	sld [smem:$0x3FBA]  }
0x39: {  	_ = 	snop;
	(pc) =	sbr.ind lr, $3  }
0x3a: {  	_ = 	snop  }
0x3b: {  	_ = 	snop  }
0x3c: {  	p2 =	seq.s32 s10, $0x1;
	s10 =	sld [smem:$0x3FB9]  }
0x3d: {  	_ =	shalt  }
0x3e: {  	_ =	shalt  }
0x3f: {  	_ =	shalt  }
0x40: {  	_ =	shalt  }
0x41: {  	_ =	shalt  }
0x42: {  	_ =	shalt  }
0x43: {  	_ =	shalt  }
0x44: {  	_ =	shalt  }
0x45: {  	_ =	shalt  }
0x46: {  	_ =	shalt  }
0x47: {  	_ =	shalt  }
0x48: {  	_ =	shalt  }
0x49: {  	_ =	shalt  }
0x4a: {  	_ =	shalt  }
0x4b: {  	_ =	shalt  }
0x4c: {  	_ =	shalt  }
0x4d: {  	_ =	shalt  }
0x4e: {  	_ =	shalt  }
0x4f: {  	_ =	shalt  }
0x50: {  	_ =	shalt  }
0x51: {  	_ =	shalt  }
0x52: {  	_ =	shalt  }
0x53: {  	_ =	shalt  }
0x54: {  	_ =	shalt  }
0x55: {  	_ =	shalt  }
0x56: {  	_ =	shalt  }
0x57: {  	_ =	shalt  }
0x58: {  	_ =	shalt  }
0x59: {  	_ =	shalt  }
0x5a: {  	_ =	shalt  }
0x5b: {  	_ =	shalt  }
0x5c: {  	_ =	shalt  }
0x5d: {  	_ =	shalt  }
0x5e: {  	_ =	shalt  }
0x5f: {  	_ =	shalt  }
0x60: {  	_ =	shalt  }
0x61: {  	_ =	shalt  }
0x62: {  	_ =	shalt  }
0x63: {  	_ =	shalt  }
0x64: {  	_ =	shalt  }
0x65: {  	_ =	shalt  }
0x66: {  	_ =	shalt  }
0x67: {  	_ =	shalt  }
0x68: {  	_ =	shalt  }
0x69: {  	_ =	shalt  }
0x6a: {  	_ =	shalt  }
0x6b: {  	_ =	shalt  }
0x6c: {  	_ =	shalt  }
0x6d: {  	_ =	shalt  }
0x6e: {  	_ =	shalt  }
0x6f: {  	_ =	shalt  }
0x70: {  	_ =	shalt  }
0x71: {  	_ =	shalt  }
0x72: {  	_ =	shalt  }
0x73: {  	_ =	shalt  }
0x74: {  	_ =	shalt  }
0x75: {  	_ =	shalt  }
0x76: {  	_ =	shalt  }
0x77: {  	_ =	shalt  }
0x78: {  	_ =	shalt  }
0x79: {  	_ =	shalt  }
0x7a: {  	_ =	shalt  }
0x7b: {  	_ =	shalt  }
0x7c: {  	_ =	shalt  }
0x7d: {  	_ =	shalt  }
0x7e: {  	_ =	shalt  }
0x7f: {  	_ =	shalt  }
0x80: {  	_ =	shalt  }
0x81: {  	_ =	shalt  }
0x82: {  	_ =	shalt  }
0x83: {  	_ =	shalt  }
0x84: {  	_ =	shalt  }
0x85: {  	_ =	shalt  }
0x86: {  	_ =	shalt  }
0x87: {  	_ =	shalt  }
.Lfunc_end0:
.L_simem_size_0:
called_computation.2_lowered:
.L_overlay_start_0:
0x88: {  	s2 =	sld [smem:$0x3FD9]  }
0x89: {  	s3 =	sld [smem:$0x3FFE];
	_ =	sdelay $0x1  }
0x8a: {  	s1 =	srdreg.scid  }
0x8b: {  	s0 =	sand.u32 $0x1, s1  }
0x8c: {  	s17 =	sshll.u32 s0, $0xA;
	s2 =	sadd.s32 s3, s2  }
0x8d: {  	s2 =	sadd.s32 s2, s17  }
0x8e: {  	[smem:$0x3FC5] =	sst s2  }
0x8f: {  	_ = 	snop  }
0x90: {  	s18 =	sld [smem:$0x3FD0];
	(tm) =	ssettm $0x1  }
0x91: {  	s19 =	sld [smem:$0x3FFB];
	_ =	sdelay $0x3  }
0x92: {  	_ =	strace s19  }
0x93: {  	s2 =	sld [smem:$0x3FFC];
	_ =	sdelay $0x3  }
0x94: {  	_ =	strace s2  }
0x95: {  	s2 =	sld [smem:$0x3FFD];
	_ =	sdelay $0x3  }
0x96: {  	_ =	strace s2  }
0x97: {  	_ =	strace $0x8FFFFFFF  }
0x98: {  	s20 =	sld [smem:$0x3FDB];
	_ =	sdelay $0x1  }
0x99: {  	s4 =	simm.s32 $_scs_section_size  }
0x9a: {  	s5 =	simm.s32 $_size__tile_overlayer_lowered;
	s6 =	simm.s32 $_tile_overlayer_lowered  }
0x9b: {  	s7 =	simm.s32 $0x1BFF;
	s21 =	sshll.u32 s6, $0x1;
	s4 =	sadd.s32 s4, s20  }
0x9c: {  	s22 =	simm.s32 $0x0;
	s5 =	sshll.u32 s5, $0x1;
	s6 =	sadd.s32 s21, s4  }
0x9d: {  	[timem:s22], [sflag:s7] =	dma.local [hbm:s6], s5  }
0x9e: {  	_ =	swait.ge [sflag:s7], s5  }
0x9f: {  	s5 =	ssub.s32 $0x0, s5;
	[sflag:s7] =	ssyncset.done $0x0  }
0xa0: {  	[sflag:s7] =	ssyncadd.s32 s5;
	_ =	sdelay $0x1  }
0xa1: {  	s23 =	simm.s32 $0x1B8B  }
0xa2: {  	_ =	swait.ge [sflag:s23], $0x1  }
0xa3: {  	[sflag:s23] =	ssyncset.done $0x0  }
0xa4: {  	[sflag:s23] =	ssyncadd.s32 $0xFFFFFFFF  }
0xa5: {  	s5 =	sld [smem:$0x0]  }
0xa6: {  	s6 =	sand.u32 $0xFFFFFFFE, s1  }
0xa7: {  	p0 =	sne.s32 s1, s6  }
0xa8: {  	s6 =	sshll.u32 @p0 s6, $0xE  }
0xa9: {  	s6 =	sadd.s32 @p0 $0x11B8D, s6;
	s7 =	sshll.u32 @p0 s5, $0x11  }
0xaa: {  	s6 =	sor.u32 @p0 s7, s6  }
0xab: {  	[sflag:s6] =	ssyncadd.remote.s32 @p0 $0x1;
	_ =	sdelay $0x1  }
0xac: {  	s6 =	simm.s32 @p0 $0x1B8D  }
0xad: {  	_ =	swait.eq @p0 [sflag:s6], $0x1  }
0xae: {  	[sflag:s6] =	ssyncadd.s32 @p0 $0xFFFFFFFF  }
0xaf: {  	s7 =	sshll.u32 @!p0 s1, $0xE  }
0xb0: {  	s7 =	sor.u32 @!p0 $0x4000, s7;
	s6 =	simm.s32 @!p0 $0x1B8D  }
0xb1: {  	s5 =	sshll.u32 @!p0 s5, $0x11;
	s7 =	sadd.s32 @!p0 $0x11B8D, s7;
	_ =	swait.eq @!p0 [sflag:s6], $0x1  }
0xb2: {  	s5 =	sor.u32 @!p0 s5, s7;
	[sflag:s6] =	ssyncadd.s32 @!p0 $0xFFFFFFFF  }
0xb3: {  	s25 =	simm.s32 $0x1B8E;
	s24 =	sld [smem:$0x3FFE];
	[sflag:s5] =	ssyncadd.remote.s32 @!p0 $0x1  }
0xb4: {  	s26 =	simm.s32 $execute0_lowered;
	[smem:$0x3FD2] =	sst s25  }
0xb5: {  	s6 =	sshll.u32 s26, $0x1;
	_ =	strace $0x8000004F;
	[dreg:$0x1] =	wrdreg $0xFFFFFFFF  }
0xb6: {  	s28 =	simm.s32 $_size_execute0_lowered;
	s4 =	sadd.s32 s4, s6;
	[dreg:$0x0] =	wrdreg $0x0  }
0xb7: {  	s6 =	sshll.u32 s28, $0x1;
	[dreg:$0x2] =	wrdreg s4  }
0xb8: {  	[dreg:$0x3] =	wrdreg s6  }
0xb9: {  	[dreg:$0x4] =	wrdreg $0xC0  }
0xba: {  	_ =	task [dreg:s22], $0x5FFFF  }
0xbb: {  	[dreg:$0x1] =	wrdreg $0xFFFFFFFF  }
0xbc: {  	[dreg:$0x0] =	wrdreg $0x60  }
0xbd: {  	[dreg:$0x2] =	wrdreg s24  }
0xbe: {  	[dreg:$0x3] =	wrdreg s18  }
0xbf: {  	[dreg:$0x4] =	wrdreg $0x9  }
0xc0: {  	_ =	task.clear_ibuf [dreg:s22], $0x5FFFF;
	_ =	strace $0x9000004F  }
0xc1: {  	s29 =	simm.s32 $0x9;
	_ =	strace $0x80000051  }
0xc2: {  	_ =	swait.ge [sflag:s29], $0x1  }
0xc3: {  	[sflag:s29] =	ssyncadd.s32 $0xFFFFFFFF  }
0xc4: {  	_ =	strace $0x90000051  }
0xc5: {  	_ =	sfence  }
0xc6: {  	s30 =	sld [smem:$0x0];
	_ =	sdelay $0x2  }
0xc7: {  	s31 =	sshll.u32 s1, $0xD;
	s1 =	sshrl.u32 s1, $0x2  }
0xc8: {  	s4 =	sand.u32 $0x4000, s31;
	s1 =	sadd.s32 s1, s30  }
0xc9: {  	s0 =	sor.u32 s4, s0;
	s1 =	sshll.u32 s1, $0x11  }
0xca: {  	s0 =	sor.u32 s1, s0  }
0xcb: {  	s0 =	sadd.s32 $0x8F2B, s0  }
0xcc: {  	[sflag:s0] =	ssyncadd.remote.s32 $0x1  }
0xcd: {  	_ =	sfence.sel $0xFFFF  }
0xce: {  	[dreg:$0x0] =	wrdreg $0xFFFFFFFF;
	(pc) =	sbr.abs _section_cstart, $3  }
0xcf: {  	[dreg:$0x1] =	wrdreg $0xFFFFFFFF  }
0xd0: {  	_ =	task.clear_ibuf [dreg:s22], $0x2FFFF;
	_ =	strace $0x9FFFFFFF  }
0xd1: {  	(tm) =	ssettm $0x7FFFFFFF  }
tec
execute0_lowered:
.L_overlay_start_1:
0x0: {  	(tag) =	ssettag $0x1  }
0x1: {  	s1 =	srdreg.scid;
	s5 =	rddreg [dreg:$0x0]  }
0x2: {  	s0 =	stileid.u32;
	s2 =	rddreg [dreg:$0x1];
	s6 =	simm.s32 $0x1  }
0x3: {  	s9 =	simm.s32 $0x1;
	s10 =	simm.s32 $0x3;
	s1 =	sshll.u32 s1, $0x6  }
0x4: {  	s13 =	simm.s32 $0x0;
	s3 =	sshll.u32 s0, $0x7;
	s4 =	sand.u32 $0x40, s1  }
0x5: {  	s12 =	simm.s32 $0x0;
	s1 =	rddreg [dreg:$0x2];
	s3 =	sor.u32 s3, s4  }
0x6: {  	_ =	strace $0x80000050;
	s4 =	sadd.s32 $0x24A00, s5;
	s8 =	ssub.s32 $0x1000, s3  }
.Ltmp0:
0x7: {  	s5 =	sadd.s32 $0x25C00, s5;
	s7 =	sand.u32 $0x7C0, s8;
	(pc) =	sbr.rel .LBB2_1-.Ltmp0, $4  }
0x8: {  	[sflag:s6] =	ssyncpa.u1 $0x0;
	s11 =	smov.u32 s3;
	p0 =	sne.s32 s7, $0x0  }
0x9: {  	s8 =	sshrl.u32 s8, $0xB;
	s7 =	simm.s32 $0x2;
	s9 =	simm.s32 @!p0 $0x0  }
0xa: {  	[sflag:s7] =	ssyncpa.u1 $0x0;
	p0 =	por $0x0, $0x0;
	s8 =	sadd.s32 s9, s8  }
0xb: {  	vm0 =	vmmov $0xffff;
	[sflag:s10] =	ssyncpa.u1 $0x0;
	s10 =	simm.s32 $0x0;
	s9 =	sadd.s32 $0x1, s8  }
.LBB2_4:
0xc: {  	v2 =	vnsel vm1, $0x0, v2  }
0xd: {  	vm1 =	vgt.s32 v0, $0x0;
	v2 =	vmin.u32 v2, $0x7FFF  }
0xe: {  	v0 =	vnsel vm1, $0x0, v0  }
0xf: {  	v0 =	vmin.u32 v0, $0x7FFF  }
0x10: {  	[tilespmem:s15], [sflag:$0x1] =	stream.indirect_vreg.gather [hbm4b:s4+s10], $0x1, v1, vm0, $0x4038;
	[tilespmem:$0x100] =	vst v63  }
0x11: {  	(ifvalue) =	ssetifvalue $0x7FFFFFFF  }
0x12: {  	[tilespmem:s16], [sflag:$0x1] =	stream.indirect_vreg.gather [hbm4b:s4+s10], $0x1, v2, vm0, $0x4038;
	[tilespmem:$0x100] =	vst v63  }
0x13: {  	s29 =	sadd.s32 $0x10, s16;
	(ifvalue) =	ssetifvalue $0x7FFFFFFF  }
0x14: {  	[tilespmem:s29], [sflag:$0x1] =	stream.indirect_vreg.gather [hbm4b:s4+s10], $0x1, v0, vm0, $0x4038;
	[tilespmem:$0x100] =	vst v63  }
0x15: {  	_ =	swait.ge [sflag:s6], $0x40  }
0x16: {  	s30 =	sshrl.u32 s13, $0x3;
	[sflag:s6] =	ssyncset.done $0x0  }
0x17: {  	s31 =	sand.u32 $0x7, s13;
	s15 =	sadd.s32 s5, s30;
	[sflag:s6] =	ssyncadd.s32 $0xFFFFFFC0  }
0x18: {  	[hbm4b:s15+s31] =	stream.linear.scatter [tilespmem:s14], [sflag:$0x3], $0x40, $0x38;
	[tilespmem:$0x100] =	vst v63  }
.LBB2_5:
0x19: {  	s15 =	sadd.s32 $0x800, s11  }
0x1a: {  	p2 =	sgt.s32 s15, $0xFFF  }
0x1b: {  	s15 =	smov.u32 @p2 s3;
	p2 =	sne.s32 s12, s9  }
.Ltmp1:
0x1c: {  	p1 =	slt.u32 s12, $0x2;
	(pc) =	sbr.rel @!p2 .LBB2_6-.Ltmp1, $4  }
0x1d: {  	s14 =	simm.s32 @!p1 $0x3  }
0x1e: {  	s16 =	sadd.s32 $0x1, s12;
	_ =	swait.ge @!p1 [sflag:s14], $0x40  }
0x1f: {  	s13 =	smov.u32 s11;
	p0 =	por !p0, !p0;
	[sflag:s14] =	ssyncset.done @!p1 $0x0  }
0x20: {  	s12 =	smov.u32 s16;
	s11 =	smov.u32 s15;
	[sflag:s14] =	ssyncadd.s32 @!p1 $0xFFFFFFC0  }
.LBB2_1:
0x21: {  	p1 =	sge.u32 s12, s8  }
0x22: {  	s14 =	sxor.u32 @!p1 $0xFFFFFFFF, s12  }
0x23: {  	s31 =	sadd.s32 $0xFFFFFFFF, s12;
	s15 =	sshrl.u32 @!p1 s11, $0x3;
	s14 =	sshll.u32 @!p1 s14, $0x6  }
0x24: {  	s16 =	sand.u32 @!p1 $0x7, s11;
	s15 =	sadd.s32 @!p1 s2, s15;
	s14 =	sand.u32 @!p1 $0x40, s14  }
0x25: {  	[tilespmem:s14], [sflag:$0x2] =	stream.linear.gather @!p1 [hbm4b:s15+s16], $0x40, $0x38;
	[tilespmem:$0x100] =	vst v63  }
0x26: {  	p1 =	sge.u32 s31, s8  }
.Ltmp2:
0x27: {  	_ = 	snop;
	(pc) =	sbr.rel @p1 .LBB2_5-.Ltmp2, $1  }
0x28: {  	_ =	sdelay $0x3  }
0x29: {  	s14 =	simm.s32 $0x1  }
0x2a: {  	_ =	swait.ge [sflag:s7], $0x40;
	s14 =	simm.s32 @!p0 $0x0  }
0x2b: {  	[sflag:s7] =	ssyncset.done $0x0;
	s14 =	sshll.u32 s14, $0x6  }
0x2c: {  	[sflag:s7] =	ssyncadd.s32 $0xFFFFFFC0;
	(ifvalue) =	ssetifvalue $0x7FFFFFFF;
	v0 =	vld.msk [tilespmem:s14+$0x0 ss:$0x1], $0xffff;
	_ =	sdelay $0x4  }
0x2d: {  	s15 =	sadd.s32 $0x10, s14;
	vm1 =	vgt.s32 v0, $0x0  }
0x2e: {  	v2 =	vld.msk [tilespmem:s15+$0x0 ss:$0x1], $0xffff;
	v1 =	vnsel vm1, $0x0, v0  }
0x2f: {  	v1 =	vmin.u32 v1, $0x7FFF;
	_ =	sdelay $0x1  }
0x30: {  	s16 =	sshll.u32 s12, $0x6;
	s18 =	simm.s32 $0x20  }
0x31: {  	s16 =	sand.u32 $0x40, s16;
	s17 =	sadd.s32 $0x10, s15;
	s15 =	sor.u32 $0x80, s14  }
0x32: {  	s14 =	sor.u32 $0x80, s16;
	s16 =	sadd.s32 $0x10, s15;
	v0 =	vld.msk [tilespmem:s17+$0x0 ss:$0x1], $0xffff;
	vm1 =	vgt.s32 v2, $0x0;
	(ifvalue) =	ssetifvalue $0x7FFFFFFF  }
.LBB2_3:
0x33: {  	[tilespmem:s15], [sflag:$0x1] =	stream.indirect_vreg.gather [hbm4b:s4+s10], $0x1, v1, vm0, $0x4038;
	[tilespmem:$0x100] =	vst v63  }
0x34: {  	s18 =	sadd.s32 $0x10, s18  }
0x35: {  	v2 =	vnsel vm1, $0x0, v2;
	p1 =	slt.u32 s18, $0x30  }
.Ltmp3:
0x36: {  	s15 =	smov.u32 s16;
	v1 =	vmin.u32 v2, $0x7FFF;
	(pc) =	sbr.rel @p1 .LBB2_3-.Ltmp3, $3  }
0x37: {  	_ =	sdelay $0x1  }
0x38: {  	s17 =	sadd.s32 $0x10, s17  }
0x39: {  	vm1 =	vgt.s32 v0, $0x0;
	s16 =	sadd.s32 $0x10, s16;
	v2 =	vmov v0;
	(ifvalue) =	ssetifvalue $0x7FFFFFFF;
	v0 =	vld.msk [tilespmem:s17+$0x0 ss:$0x1], $0xffff  }
.Ltmp4:
0x3a: {  	_ = 	snop;
	(pc) =	sbr.rel .LBB2_4-.Ltmp4, $1  }
0x3b: {  	_ =	sdelay $0x3  }
.LBB2_6:
0x3c: {  	_ =	sfence.sel $0x180000  }
0x3d: {  	s2 =	simm.s32 $0x2;
	[bflag:$0x0] =	sbarrier.arrive $0xFFFF  }
0x3e: {  	s30 =	simm.s32 $0x3;
	[sflag:s2] =	ssyncpa.u1 $0x1  }
0x3f: {  	s31 =	simm.s32 $0x1;
	[sflag:s30] =	ssyncpa.u1 $0x1  }
0x40: {  	[sflag:s31] =	ssyncpa.u1 $0x1  }
0x41: {  	p0 =	sne.s32 s0, $0x0;
	_ =	strace $0x90000050  }
0x42: {  	s0 =	sadd.s32 @!p0 $0x100000, s1;
	[bflag:$0x2] =	sbarrier.arrive $0xFFFF  }
0x43: {  	[sflag:s0] =	ssyncadd.tile.s32 @!p0 $0x1;
	_ =	shalt  }
.Lfunc_end2:
_tile_overlayer_lowered:
.L_overlay_start_2:
0x44: {  	(tag) =	ssettag $0x2  }
0x45: {  	s0 =	rddreg [dreg:$0x0];
	s2 =	stileid.u32  }
0x46: {  	s1 =	rddreg [dreg:$0x1];
	p0 =	sne.s32 s2, $0x0  }
0x47: {  	s3 =	rddreg [dreg:$0x2];
	[bflag:$0x3] =	sbarrier.arrive $0xFFFF;
	s2 =	simm.s32 @!p0 $0x1C01  }
0x48: {  	[timem:s3], [sflag:s2] =	dma.local @!p0 [hbm:s0], s1  }
0x49: {  	s0 =	simm.s32 @!p0 $0x1  }
0x4a: {  	_ =	swait.ge @!p0 [sflag:s0], s1  }
0x4b: {  	s1 =	ssub.s32 @!p0 $0x0, s1;
	[sflag:s0] =	ssyncset.done @!p0 $0x0  }
0x4c: {  	[sflag:s0] =	ssyncadd.s32 @!p0 s1  }
0x4d: {  	[bflag:$0x3] =	sbarrier.arrive $0xFFFF  }
0x4e: {  	_ =	shalt  }

// kernel: gather_offload_async_start.2
scs
__scs_entry_jumppad:
0x0: {  	(pc) =	sbr.rel $0x88, $3  }
0x1: {  	(tag) =	ssettag $0x0;
	lr =	simm.s32 $0x1  }
0x2: {  	[smem:$0x3F9E] =	sst lr;
	_ =	strace $0xD0000000  }
0x3: {  	_ = 	snop  }
0x4: {  	_ = 	snop  }
0x5: {  	_ = 	snop  }
0x6: {  	_ = 	snop  }
0x7: {  	_ = 	snop  }
__scs_overlays_trampoline_lowered:
0x8: {  	[smem:$0x3FAD] =	sst s0  }
0x9: {  	[smem:$0x3FAE] =	sst s1  }
0xa: {  	[smem:$0x3FAF] =	sst s2  }
0xb: {  	[smem:$0x3FB0] =	sst s3  }
0xc: {  	[smem:$0x3FB1] =	sst s4  }
0xd: {  	[smem:$0x3FB2] =	sst s5  }
0xe: {  	[smem:$0x3FB3] =	sst s6  }
0xf: {  	[smem:$0x3FB4] =	sst s7  }
0x10: {  	[smem:$0x3FB5] =	sst s8  }
0x11: {  	[smem:$0x3FB6] =	sst s9;
	s0 =	simm.s32 @!p0 $0x0  }
0x12: {  	s1 =	sld [smem:$0x3F9C];
	s0 =	simm.s32 @p0 $0x1  }
0x13: {  	[smem:$0x3FB7] =	sst s0;
	s0 =	simm.s32 @!p1 $0x0  }
0x14: {  	s2 =	sld [smem:$0x3F9B];
	s0 =	simm.s32 @p1 $0x1  }
0x15: {  	[smem:$0x3FB8] =	sst s0;
	s0 =	simm.s32 @!p2 $0x0  }
0x16: {  	s3 =	sld [smem:$0x3FDB];
	s0 =	simm.s32 @p2 $0x1  }
0x17: {  	s4 =	simm.s32 $0x1BF5;
	[smem:$0x3FBA] =	sst s0  }
0x18: {  	s0 =	sld [smem:$0x3F9D];
	_ =	swait.ge [sflag:s4], $0x0  }
0x19: {  	s7 =	sld [smem:$0x3F9E]  }
0x1a: {  	s8 =	sadd.s32 $0xFFFFE003, lr  }
0x1b: {  	s9 =	sadd.s32 $0xFFFFFEF7, lr;
	s5 =	simm.s32 $0xFFFFFFFF;
	p2 =	slt.u32 s8, $0xFFFFF086  }
0x1c: {  	p1 =	slt.u32 s9, $0xF7A;
	s5 =	simm.s32 @!p2 $0x0  }
0x1d: {  	s5 =	simm.s32 @p1 $0x1;
	p0 =	seq.s32 s7, s2  }
0x1e: {  	s7 =	smul.u32 @!p0 $0xF7A, s2;
	p2 =	seq.s32 @!p0 s5, $0x0  }
0x1f: {  	s9 =	smul.u32 $0xF7A, s1;
	s8 =	simm.s32 @!p0 $0x1BF5;
	p2 =	por !p2, p0  }
0x20: {  	[sflag:s8] =	ssyncset.s32 @!p0 $0xFFFFF086;
	s6 =	sadd.s32 @!p0 s3, s7;
	s7 =	simm.s32 @!p0 $0x108  }
0x21: {  	s3 =	sadd.s32 s3, s9;
	s6 =	sadd.s32 @!p0 $0x88, s6;
	s7 =	simm.s32 @p2 $0x1082  }
0x22: {  	[simem:s7], [sflag:s8] =	dma.local @!p0 [hbm:s6], $0xF7A  }
0x23: {  	s9 =	sor.u32 $0xD0000000, s2;
	s6 =	simm.s32 $0x108;
	_ =	swait.ge @!p0 [sflag:s8], $0x0  }
0x24: {  	s3 =	sadd.s32 $0x88, s3;
	s6 =	simm.s32 @!p1 $0x1082;
	[sflag:s4] =	ssyncset.s32 $0xFFFFF086  }
0x25: {  	[simem:s6], [sflag:s4] =	dma.local [hbm:s3], $0xF7A  }
0x26: {  	[smem:$0x3F9E] =	sst s1;
	(tag) =	ssettag s2;
	_ =	strace s9  }
0x27: {  	s1 =	sld [smem:$0x3FAE]  }
0x28: {  	s2 =	sld [smem:$0x3FAF]  }
0x29: {  	s4 =	sld [smem:$0x3FB1]  }
0x2a: {  	p0 =	seq.s32 s5, $0x0;
	s5 =	sld [smem:$0x3FB2]  }
0x2b: {  	s6 =	sld [smem:$0x3FB3]  }
0x2c: {  	s7 =	sld [smem:$0x3FB4]  }
0x2d: {  	s3 =	simm.s32 $0x108;
	s8 =	sld [smem:$0x3FB5]  }
0x2e: {  	s3 =	simm.s32 @!p0 $0x1082;
	s9 =	sld [smem:$0x3FB6]  }
0x2f: {  	lr =	sadd.s32 s0, s3;
	s0 =	sld [smem:$0x3FAD]  }
0x30: {  	s3 =	sld [smem:$0x3FB0]  }
0x31: {  	[smem:$0x3FB9] =	sst s10  }
0x32: {  	s10 =	sld [smem:$0x3FB7];
	_ =	sdelay $0x3  }
0x33: {  	p0 =	seq.s32 s10, $0x1;
	s10 =	sld [smem:$0x3FB9];
	_ =	sdelay $0x3  }
0x34: {  	[smem:$0x3FB9] =	sst s10  }
0x35: {  	s10 =	sld [smem:$0x3FB8];
	_ =	sdelay $0x3  }
0x36: {  	p1 =	seq.s32 s10, $0x1;
	s10 =	sld [smem:$0x3FB9];
	_ =	sdelay $0x3  }
0x37: {  	[smem:$0x3FB9] =	sst s10  }
0x38: {  	s10 =	sld [smem:$0x3FBA]  }
0x39: {  	_ = 	snop;
	(pc) =	sbr.ind lr, $3  }
0x3a: {  	_ = 	snop  }
0x3b: {  	_ = 	snop  }
0x3c: {  	p2 =	seq.s32 s10, $0x1;
	s10 =	sld [smem:$0x3FB9]  }
0x3d: {  	_ =	shalt  }
0x3e: {  	_ =	shalt  }
0x3f: {  	_ =	shalt  }
0x40: {  	_ =	shalt  }
0x41: {  	_ =	shalt  }
0x42: {  	_ =	shalt  }
0x43: {  	_ =	shalt  }
0x44: {  	_ =	shalt  }
0x45: {  	_ =	shalt  }
0x46: {  	_ =	shalt  }
0x47: {  	_ =	shalt  }
0x48: {  	_ =	shalt  }
0x49: {  	_ =	shalt  }
0x4a: {  	_ =	shalt  }
0x4b: {  	_ =	shalt  }
0x4c: {  	_ =	shalt  }
0x4d: {  	_ =	shalt  }
0x4e: {  	_ =	shalt  }
0x4f: {  	_ =	shalt  }
0x50: {  	_ =	shalt  }
0x51: {  	_ =	shalt  }
0x52: {  	_ =	shalt  }
0x53: {  	_ =	shalt  }
0x54: {  	_ =	shalt  }
0x55: {  	_ =	shalt  }
0x56: {  	_ =	shalt  }
0x57: {  	_ =	shalt  }
0x58: {  	_ =	shalt  }
0x59: {  	_ =	shalt  }
0x5a: {  	_ =	shalt  }
0x5b: {  	_ =	shalt  }
0x5c: {  	_ =	shalt  }
0x5d: {  	_ =	shalt  }
0x5e: {  	_ =	shalt  }
0x5f: {  	_ =	shalt  }
0x60: {  	_ =	shalt  }
0x61: {  	_ =	shalt  }
0x62: {  	_ =	shalt  }
0x63: {  	_ =	shalt  }
0x64: {  	_ =	shalt  }
0x65: {  	_ =	shalt  }
0x66: {  	_ =	shalt  }
0x67: {  	_ =	shalt  }
0x68: {  	_ =	shalt  }
0x69: {  	_ =	shalt  }
0x6a: {  	_ =	shalt  }
0x6b: {  	_ =	shalt  }
0x6c: {  	_ =	shalt  }
0x6d: {  	_ =	shalt  }
0x6e: {  	_ =	shalt  }
0x6f: {  	_ =	shalt  }
0x70: {  	_ =	shalt  }
0x71: {  	_ =	shalt  }
0x72: {  	_ =	shalt  }
0x73: {  	_ =	shalt  }
0x74: {  	_ =	shalt  }
0x75: {  	_ =	shalt  }
0x76: {  	_ =	shalt  }
0x77: {  	_ =	shalt  }
0x78: {  	_ =	shalt  }
0x79: {  	_ =	shalt  }
0x7a: {  	_ =	shalt  }
0x7b: {  	_ =	shalt  }
0x7c: {  	_ =	shalt  }
0x7d: {  	_ =	shalt  }
0x7e: {  	_ =	shalt  }
0x7f: {  	_ =	shalt  }
0x80: {  	_ =	shalt  }
0x81: {  	_ =	shalt  }
0x82: {  	_ =	shalt  }
0x83: {  	_ =	shalt  }
0x84: {  	_ =	shalt  }
0x85: {  	_ =	shalt  }
0x86: {  	_ =	shalt  }
0x87: {  	_ =	shalt  }
.Lfunc_end0:
.L_simem_size_0:
called_computation.3_lowered:
.L_overlay_start_0:
0x88: {  	s2 =	sld [smem:$0x3FD9]  }
0x89: {  	s3 =	sld [smem:$0x3FFE];
	_ =	sdelay $0x1  }
0x8a: {  	s1 =	srdreg.scid  }
0x8b: {  	s0 =	sand.u32 $0x1, s1  }
0x8c: {  	s17 =	sshll.u32 s0, $0xA;
	s2 =	sadd.s32 s3, s2  }
0x8d: {  	s2 =	sadd.s32 s2, s17  }
0x8e: {  	[smem:$0x3FC5] =	sst s2  }
0x8f: {  	_ = 	snop  }
0x90: {  	s2 =	sld [smem:$0x3FD0];
	(tm) =	ssettm $0x1  }
0x91: {  	s18 =	sld [smem:$0x3FFB];
	_ =	sdelay $0x3  }
0x92: {  	_ =	strace s18  }
0x93: {  	s3 =	sld [smem:$0x3FFC];
	_ =	sdelay $0x3  }
0x94: {  	_ =	strace s3  }
0x95: {  	s3 =	sld [smem:$0x3FFD];
	_ =	sdelay $0x3  }
0x96: {  	_ =	strace s3  }
0x97: {  	_ =	strace $0x8FFFFFFF  }
0x98: {  	s19 =	sld [smem:$0x3FDB];
	_ =	sdelay $0x1  }
0x99: {  	s4 =	simm.s32 $_scs_section_size  }
0x9a: {  	s5 =	simm.s32 $_size__tile_overlayer_lowered;
	s6 =	simm.s32 $_tile_overlayer_lowered  }
0x9b: {  	s22 =	simm.s32 $0x1BFF;
	s21 =	sshll.u32 s6, $0x1;
	s3 =	sadd.s32 s4, s19  }
0x9c: {  	s7 =	simm.s32 $0x0;
	s20 =	sshll.u32 s5, $0x1;
	s5 =	sadd.s32 s21, s3  }
0x9d: {  	[timem:s7], [sflag:s22] =	dma.local [hbm:s5], s20  }
0x9e: {  	_ =	swait.ge [sflag:s22], s20  }
0x9f: {  	s4 =	ssub.s32 $0x0, s20;
	[sflag:s22] =	ssyncset.done $0x0  }
0xa0: {  	[sflag:s22] =	ssyncadd.s32 s4;
	_ =	sdelay $0x1  }
0xa1: {  	s23 =	simm.s32 $0x1B8B  }
0xa2: {  	_ =	swait.ge [sflag:s23], $0x1  }
0xa3: {  	[sflag:s23] =	ssyncset.done $0x0  }
0xa4: {  	s25 =	simm.s32 $0x1B8E;
	s24 =	sld [smem:$0x3FFE];
	[sflag:s23] =	ssyncadd.s32 $0xFFFFFFFF  }
0xa5: {  	s26 =	simm.s32 $execute0_lowered;
	[smem:$0x3FD2] =	sst s25  }
0xa6: {  	s5 =	sshll.u32 s26, $0x1;
	_ =	strace $0x8000004C;
	[dreg:$0x1] =	wrdreg $0xFFFFFFFF  }
0xa7: {  	s28 =	simm.s32 $_size_execute0_lowered;
	s3 =	sadd.s32 s3, s5;
	[dreg:$0x0] =	wrdreg $0x0  }
0xa8: {  	s5 =	sshll.u32 s28, $0x1;
	[dreg:$0x2] =	wrdreg s3  }
0xa9: {  	[dreg:$0x3] =	wrdreg s5  }
0xaa: {  	[dreg:$0x4] =	wrdreg $0xC0  }
0xab: {  	_ =	task [dreg:s7], $0x5FFFF  }
0xac: {  	[dreg:$0x1] =	wrdreg $0xFFFFFFFF  }
0xad: {  	[dreg:$0x0] =	wrdreg $0x60  }
0xae: {  	[dreg:$0x2] =	wrdreg s24  }
0xaf: {  	[dreg:$0x3] =	wrdreg s2  }
0xb0: {  	[dreg:$0x4] =	wrdreg $0xA  }
0xb1: {  	_ =	task.clear_ibuf [dreg:s7], $0x5FFFF;
	_ =	strace $0x9000004C  }
0xb2: {  	s29 =	simm.s32 $0xA;
	_ =	strace $0x8000004E  }
0xb3: {  	_ =	swait.ge [sflag:s29], $0x1  }
0xb4: {  	[sflag:s29] =	ssyncadd.s32 $0xFFFFFFFF  }
0xb5: {  	_ =	strace $0x9000004E  }
0xb6: {  	_ =	sfence  }
0xb7: {  	s30 =	sld [smem:$0x0];
	_ =	sdelay $0x2  }
0xb8: {  	s31 =	sshll.u32 s1, $0xD;
	s1 =	sshrl.u32 s1, $0x2  }
0xb9: {  	s3 =	sand.u32 $0x4000, s31;
	s1 =	sadd.s32 s1, s30  }
0xba: {  	s0 =	sor.u32 s3, s0;
	s1 =	sshll.u32 s1, $0x11  }
0xbb: {  	s0 =	sor.u32 s1, s0  }
0xbc: {  	s0 =	sadd.s32 $0x8F2B, s0  }
0xbd: {  	[sflag:s0] =	ssyncadd.remote.s32 $0x1  }
0xbe: {  	_ =	sfence.sel $0xFFFF  }
0xbf: {  	[dreg:$0x0] =	wrdreg $0xFFFFFFFF;
	(pc) =	sbr.abs _section_cstart, $3  }
0xc0: {  	[dreg:$0x1] =	wrdreg $0xFFFFFFFF  }
0xc1: {  	_ =	task.clear_ibuf [dreg:s7], $0x2FFFF;
	_ =	strace $0x9FFFFFFF  }
0xc2: {  	(tm) =	ssettm $0x7FFFFFFF  }
0xc3: {  	_ =	shalt  }
tec
execute0_lowered:
.L_overlay_start_1:
0x0: {  	(tag) =	ssettag $0x1  }
0x1: {  	s1 =	srdreg.scid;
	s5 =	rddreg [dreg:$0x0]  }
0x2: {  	s0 =	stileid.u32;
	s2 =	rddreg [dreg:$0x1];
	s6 =	simm.s32 $0x1  }
0x3: {  	s9 =	simm.s32 $0x1;
	s10 =	simm.s32 $0x3;
	s1 =	sshll.u32 s1, $0x6  }
0x4: {  	s13 =	simm.s32 $0x0;
	s3 =	sshll.u32 s0, $0x7;
	s4 =	sand.u32 $0x40, s1  }
0x5: {  	s12 =	simm.s32 $0x0;
	s1 =	rddreg [dreg:$0x2];
	s3 =	sor.u32 s3, s4  }
0x6: {  	_ =	strace $0x8000004D;
	s4 =	sadd.s32 $0x23A00, s5;
	s8 =	ssub.s32 $0x1000, s3  }
.Ltmp0:
0x7: {  	s5 =	sadd.s32 $0x25A00, s5;
	s7 =	sand.u32 $0x7C0, s8;
	(pc) =	sbr.rel .LBB2_1-.Ltmp0, $4  }
0x8: {  	[sflag:s6] =	ssyncpa.u1 $0x0;
	s11 =	smov.u32 s3;
	p0 =	sne.s32 s7, $0x0  }
0x9: {  	s8 =	sshrl.u32 s8, $0xB;
	s7 =	simm.s32 $0x2;
	s9 =	simm.s32 @!p0 $0x0  }
0xa: {  	[sflag:s7] =	ssyncpa.u1 $0x0;
	p0 =	por $0x0, $0x0;
	s8 =	sadd.s32 s9, s8  }
0xb: {  	vm0 =	vmmov $0xffff;
	[sflag:s10] =	ssyncpa.u1 $0x0;
	s10 =	simm.s32 $0x0;
	s9 =	sadd.s32 $0x1, s8  }
.LBB2_4:
0xc: {  	v2 =	vnsel vm1, $0x0, v2  }
0xd: {  	vm1 =	vgt.s32 v0, $0x0;
	v2 =	vmin.u32 v2, $0x7FFF  }
0xe: {  	v0 =	vnsel vm1, $0x0, v0  }
0xf: {  	v0 =	vmin.u32 v0, $0x7FFF  }
0x10: {  	[tilespmem:s15], [sflag:$0x1] =	stream.indirect_vreg.gather [hbm4b:s4+s10], $0x1, v1, vm0, $0x4038;
	[tilespmem:$0x100] =	vst v63  }
0x11: {  	(ifvalue) =	ssetifvalue $0x7FFFFFFF  }
0x12: {  	[tilespmem:s16], [sflag:$0x1] =	stream.indirect_vreg.gather [hbm4b:s4+s10], $0x1, v2, vm0, $0x4038;
	[tilespmem:$0x100] =	vst v63  }
0x13: {  	s29 =	sadd.s32 $0x10, s16;
	(ifvalue) =	ssetifvalue $0x7FFFFFFF  }
0x14: {  	[tilespmem:s29], [sflag:$0x1] =	stream.indirect_vreg.gather [hbm4b:s4+s10], $0x1, v0, vm0, $0x4038;
	[tilespmem:$0x100] =	vst v63  }
0x15: {  	_ =	swait.ge [sflag:s6], $0x40  }
0x16: {  	s30 =	sshrl.u32 s13, $0x3;
	[sflag:s6] =	ssyncset.done $0x0  }
0x17: {  	s31 =	sand.u32 $0x7, s13;
	s15 =	sadd.s32 s5, s30;
	[sflag:s6] =	ssyncadd.s32 $0xFFFFFFC0  }
0x18: {  	[hbm4b:s15+s31] =	stream.linear.scatter [tilespmem:s14], [sflag:$0x3], $0x40, $0x38;
	[tilespmem:$0x100] =	vst v63  }
.LBB2_5:
0x19: {  	s15 =	sadd.s32 $0x800, s11  }
0x1a: {  	p2 =	sgt.s32 s15, $0xFFF  }
0x1b: {  	s15 =	smov.u32 @p2 s3;
	p2 =	sne.s32 s12, s9  }
.Ltmp1:
0x1c: {  	p1 =	slt.u32 s12, $0x2;
	(pc) =	sbr.rel @!p2 .LBB2_6-.Ltmp1, $4  }
0x1d: {  	s14 =	simm.s32 @!p1 $0x3  }
0x1e: {  	s16 =	sadd.s32 $0x1, s12;
	_ =	swait.ge @!p1 [sflag:s14], $0x40  }
0x1f: {  	s13 =	smov.u32 s11;
	p0 =	por !p0, !p0;
	[sflag:s14] =	ssyncset.done @!p1 $0x0  }
0x20: {  	s12 =	smov.u32 s16;
	s11 =	smov.u32 s15;
	[sflag:s14] =	ssyncadd.s32 @!p1 $0xFFFFFFC0  }
.LBB2_1:
0x21: {  	p1 =	sge.u32 s12, s8  }
0x22: {  	s14 =	sxor.u32 @!p1 $0xFFFFFFFF, s12  }
0x23: {  	s31 =	sadd.s32 $0xFFFFFFFF, s12;
	s15 =	sshrl.u32 @!p1 s11, $0x3;
	s14 =	sshll.u32 @!p1 s14, $0x6  }
0x24: {  	s16 =	sand.u32 @!p1 $0x7, s11;
	s15 =	sadd.s32 @!p1 s2, s15;
	s14 =	sand.u32 @!p1 $0x40, s14  }
0x25: {  	[tilespmem:s14], [sflag:$0x2] =	stream.linear.gather @!p1 [hbm4b:s15+s16], $0x40, $0x38;
	[tilespmem:$0x100] =	vst v63  }
0x26: {  	p1 =	sge.u32 s31, s8  }
.Ltmp2:
0x27: {  	_ = 	snop;
	(pc) =	sbr.rel @p1 .LBB2_5-.Ltmp2, $1  }
0x28: {  	_ =	sdelay $0x3  }
0x29: {  	s14 =	simm.s32 $0x1  }
0x2a: {  	_ =	swait.ge [sflag:s7], $0x40;
	s14 =	simm.s32 @!p0 $0x0  }
0x2b: {  	[sflag:s7] =	ssyncset.done $0x0;
	s14 =	sshll.u32 s14, $0x6  }
0x2c: {  	[sflag:s7] =	ssyncadd.s32 $0xFFFFFFC0;
	(ifvalue) =	ssetifvalue $0x7FFFFFFF;
	v0 =	vld.msk [tilespmem:s14+$0x0 ss:$0x1], $0xffff;
	_ =	sdelay $0x4  }
0x2d: {  	s15 =	sadd.s32 $0x10, s14;
	vm1 =	vgt.s32 v0, $0x0  }
0x2e: {  	v2 =	vld.msk [tilespmem:s15+$0x0 ss:$0x1], $0xffff;
	v1 =	vnsel vm1, $0x0, v0  }
0x2f: {  	v1 =	vmin.u32 v1, $0x7FFF;
	_ =	sdelay $0x1  }
0x30: {  	s16 =	sshll.u32 s12, $0x6;
	s18 =	simm.s32 $0x20  }
0x31: {  	s16 =	sand.u32 $0x40, s16;
	s17 =	sadd.s32 $0x10, s15;
	s15 =	sor.u32 $0x80, s14  }
0x32: {  	s14 =	sor.u32 $0x80, s16;
	s16 =	sadd.s32 $0x10, s15;
	v0 =	vld.msk [tilespmem:s17+$0x0 ss:$0x1], $0xffff;
	vm1 =	vgt.s32 v2, $0x0;
	(ifvalue) =	ssetifvalue $0x7FFFFFFF  }
.LBB2_3:
0x33: {  	[tilespmem:s15], [sflag:$0x1] =	stream.indirect_vreg.gather [hbm4b:s4+s10], $0x1, v1, vm0, $0x4038;
	[tilespmem:$0x100] =	vst v63  }
0x34: {  	s18 =	sadd.s32 $0x10, s18  }
0x35: {  	v2 =	vnsel vm1, $0x0, v2;
	p1 =	slt.u32 s18, $0x30  }
.Ltmp3:
0x36: {  	s15 =	smov.u32 s16;
	v1 =	vmin.u32 v2, $0x7FFF;
	(pc) =	sbr.rel @p1 .LBB2_3-.Ltmp3, $3  }
0x37: {  	_ =	sdelay $0x1  }
0x38: {  	s17 =	sadd.s32 $0x10, s17  }
0x39: {  	vm1 =	vgt.s32 v0, $0x0;
	s16 =	sadd.s32 $0x10, s16;
	v2 =	vmov v0;
	(ifvalue) =	ssetifvalue $0x7FFFFFFF;
	v0 =	vld.msk [tilespmem:s17+$0x0 ss:$0x1], $0xffff  }
.Ltmp4:
0x3a: {  	_ = 	snop;
	(pc) =	sbr.rel .LBB2_4-.Ltmp4, $1  }
0x3b: {  	_ =	sdelay $0x3  }
.LBB2_6:
0x3c: {  	_ =	sfence.sel $0x180000  }
0x3d: {  	s2 =	simm.s32 $0x2;
	[bflag:$0x0] =	sbarrier.arrive $0xFFFF  }
0x3e: {  	s30 =	simm.s32 $0x3;
	[sflag:s2] =	ssyncpa.u1 $0x1  }
0x3f: {  	s31 =	simm.s32 $0x1;
	[sflag:s30] =	ssyncpa.u1 $0x1  }
0x40: {  	[sflag:s31] =	ssyncpa.u1 $0x1  }
0x41: {  	p0 =	sne.s32 s0, $0x0;
	_ =	strace $0x9000004D  }
0x42: {  	s0 =	sadd.s32 @!p0 $0x100000, s1;
	[bflag:$0x2] =	sbarrier.arrive $0xFFFF  }
0x43: {  	[sflag:s0] =	ssyncadd.tile.s32 @!p0 $0x1;
	_ =	shalt  }
.Lfunc_end2:
_tile_overlayer_lowered:
.L_overlay_start_2:
0x44: {  	(tag) =	ssettag $0x2  }
0x45: {  	s0 =	rddreg [dreg:$0x0];
	s2 =	stileid.u32  }
0x46: {  	s1 =	rddreg [dreg:$0x1];
	p0 =	sne.s32 s2, $0x0  }
0x47: {  	s3 =	rddreg [dreg:$0x2];
	[bflag:$0x3] =	sbarrier.arrive $0xFFFF;
	s2 =	simm.s32 @!p0 $0x1C01  }
0x48: {  	[timem:s3], [sflag:s2] =	dma.local @!p0 [hbm:s0], s1  }
0x49: {  	s0 =	simm.s32 @!p0 $0x1  }
0x4a: {  	_ =	swait.ge @!p0 [sflag:s0], s1  }
0x4b: {  	s1 =	ssub.s32 @!p0 $0x0, s1;
	[sflag:s0] =	ssyncset.done @!p0 $0x0  }
0x4c: {  	[sflag:s0] =	ssyncadd.s32 @!p0 s1  }
0x4d: {  	[bflag:$0x3] =	sbarrier.arrive $0xFFFF  }
0x4e: {  	_ =	shalt  }

// kernel: gather_offload_async_start
scs
__scs_entry_jumppad:
0x0: {  	(pc) =	sbr.rel $0x88, $3  }
0x1: {  	(tag) =	ssettag $0x0;
	lr =	simm.s32 $0x1  }
0x2: {  	[smem:$0x3F9E] =	sst lr;
	_ =	strace $0xD0000000  }
0x3: {  	_ = 	snop  }
0x4: {  	_ = 	snop  }
0x5: {  	_ = 	snop  }
0x6: {  	_ = 	snop  }
0x7: {  	_ = 	snop  }
__scs_overlays_trampoline_lowered:
0x8: {  	[smem:$0x3FAD] =	sst s0  }
0x9: {  	[smem:$0x3FAE] =	sst s1  }
0xa: {  	[smem:$0x3FAF] =	sst s2  }
0xb: {  	[smem:$0x3FB0] =	sst s3  }
0xc: {  	[smem:$0x3FB1] =	sst s4  }
0xd: {  	[smem:$0x3FB2] =	sst s5  }
0xe: {  	[smem:$0x3FB3] =	sst s6  }
0xf: {  	[smem:$0x3FB4] =	sst s7  }
0x10: {  	[smem:$0x3FB5] =	sst s8  }
0x11: {  	[smem:$0x3FB6] =	sst s9;
	s0 =	simm.s32 @!p0 $0x0  }
0x12: {  	s1 =	sld [smem:$0x3F9C];
	s0 =	simm.s32 @p0 $0x1  }
0x13: {  	[smem:$0x3FB7] =	sst s0;
	s0 =	simm.s32 @!p1 $0x0  }
0x14: {  	s2 =	sld [smem:$0x3F9B];
	s0 =	simm.s32 @p1 $0x1  }
0x15: {  	[smem:$0x3FB8] =	sst s0;
	s0 =	simm.s32 @!p2 $0x0  }
0x16: {  	s3 =	sld [smem:$0x3FDB];
	s0 =	simm.s32 @p2 $0x1  }
0x17: {  	s4 =	simm.s32 $0x1BF5;
	[smem:$0x3FBA] =	sst s0  }
0x18: {  	s0 =	sld [smem:$0x3F9D];
	_ =	swait.ge [sflag:s4], $0x0  }
0x19: {  	s7 =	sld [smem:$0x3F9E]  }
0x1a: {  	s8 =	sadd.s32 $0xFFFFE003, lr  }
0x1b: {  	s9 =	sadd.s32 $0xFFFFFEF7, lr;
	s5 =	simm.s32 $0xFFFFFFFF;
	p2 =	slt.u32 s8, $0xFFFFF086  }
0x1c: {  	p1 =	slt.u32 s9, $0xF7A;
	s5 =	simm.s32 @!p2 $0x0  }
0x1d: {  	s5 =	simm.s32 @p1 $0x1;
	p0 =	seq.s32 s7, s2  }
0x1e: {  	s7 =	smul.u32 @!p0 $0xF7A, s2;
	p2 =	seq.s32 @!p0 s5, $0x0  }
0x1f: {  	s9 =	smul.u32 $0xF7A, s1;
	s8 =	simm.s32 @!p0 $0x1BF5;
	p2 =	por !p2, p0  }
0x20: {  	[sflag:s8] =	ssyncset.s32 @!p0 $0xFFFFF086;
	s6 =	sadd.s32 @!p0 s3, s7;
	s7 =	simm.s32 @!p0 $0x108  }
0x21: {  	s3 =	sadd.s32 s3, s9;
	s6 =	sadd.s32 @!p0 $0x88, s6;
	s7 =	simm.s32 @p2 $0x1082  }
0x22: {  	[simem:s7], [sflag:s8] =	dma.local @!p0 [hbm:s6], $0xF7A  }
0x23: {  	s9 =	sor.u32 $0xD0000000, s2;
	s6 =	simm.s32 $0x108;
	_ =	swait.ge @!p0 [sflag:s8], $0x0  }
0x24: {  	s3 =	sadd.s32 $0x88, s3;
	s6 =	simm.s32 @!p1 $0x1082;
	[sflag:s4] =	ssyncset.s32 $0xFFFFF086  }
0x25: {  	[simem:s6], [sflag:s4] =	dma.local [hbm:s3], $0xF7A  }
0x26: {  	[smem:$0x3F9E] =	sst s1;
	(tag) =	ssettag s2;
	_ =	strace s9  }
0x27: {  	s1 =	sld [smem:$0x3FAE]  }
0x28: {  	s2 =	sld [smem:$0x3FAF]  }
0x29: {  	s4 =	sld [smem:$0x3FB1]  }
0x2a: {  	p0 =	seq.s32 s5, $0x0;
	s5 =	sld [smem:$0x3FB2]  }
0x2b: {  	s6 =	sld [smem:$0x3FB3]  }
0x2c: {  	s7 =	sld [smem:$0x3FB4]  }
0x2d: {  	s3 =	simm.s32 $0x108;
	s8 =	sld [smem:$0x3FB5]  }
0x2e: {  	s3 =	simm.s32 @!p0 $0x1082;
	s9 =	sld [smem:$0x3FB6]  }
0x2f: {  	lr =	sadd.s32 s0, s3;
	s0 =	sld [smem:$0x3FAD]  }
0x30: {  	s3 =	sld [smem:$0x3FB0]  }
0x31: {  	[smem:$0x3FB9] =	sst s10  }
0x32: {  	s10 =	sld [smem:$0x3FB7];
	_ =	sdelay $0x3  }
0x33: {  	p0 =	seq.s32 s10, $0x1;
	s10 =	sld [smem:$0x3FB9];
	_ =	sdelay $0x3  }
0x34: {  	[smem:$0x3FB9] =	sst s10  }
0x35: {  	s10 =	sld [smem:$0x3FB8];
	_ =	sdelay $0x3  }
0x36: {  	p1 =	seq.s32 s10, $0x1;
	s10 =	sld [smem:$0x3FB9];
	_ =	sdelay $0x3  }
0x37: {  	[smem:$0x3FB9] =	sst s10  }
0x38: {  	s10 =	sld [smem:$0x3FBA]  }
0x39: {  	_ = 	snop;
	(pc) =	sbr.ind lr, $3  }
0x3a: {  	_ = 	snop  }
0x3b: {  	_ = 	snop  }
0x3c: {  	p2 =	seq.s32 s10, $0x1;
	s10 =	sld [smem:$0x3FB9]  }
0x3d: {  	_ =	shalt  }
0x3e: {  	_ =	shalt  }
0x3f: {  	_ =	shalt  }
0x40: {  	_ =	shalt  }
0x41: {  	_ =	shalt  }
0x42: {  	_ =	shalt  }
0x43: {  	_ =	shalt  }
0x44: {  	_ =	shalt  }
0x45: {  	_ =	shalt  }
0x46: {  	_ =	shalt  }
0x47: {  	_ =	shalt  }
0x48: {  	_ =	shalt  }
0x49: {  	_ =	shalt  }
0x4a: {  	_ =	shalt  }
0x4b: {  	_ =	shalt  }
0x4c: {  	_ =	shalt  }
0x4d: {  	_ =	shalt  }
0x4e: {  	_ =	shalt  }
0x4f: {  	_ =	shalt  }
0x50: {  	_ =	shalt  }
0x51: {  	_ =	shalt  }
0x52: {  	_ =	shalt  }
0x53: {  	_ =	shalt  }
0x54: {  	_ =	shalt  }
0x55: {  	_ =	shalt  }
0x56: {  	_ =	shalt  }
0x57: {  	_ =	shalt  }
0x58: {  	_ =	shalt  }
0x59: {  	_ =	shalt  }
0x5a: {  	_ =	shalt  }
0x5b: {  	_ =	shalt  }
0x5c: {  	_ =	shalt  }
0x5d: {  	_ =	shalt  }
0x5e: {  	_ =	shalt  }
0x5f: {  	_ =	shalt  }
0x60: {  	_ =	shalt  }
0x61: {  	_ =	shalt  }
0x62: {  	_ =	shalt  }
0x63: {  	_ =	shalt  }
0x64: {  	_ =	shalt  }
0x65: {  	_ =	shalt  }
0x66: {  	_ =	shalt  }
0x67: {  	_ =	shalt  }
0x68: {  	_ =	shalt  }
0x69: {  	_ =	shalt  }
0x6a: {  	_ =	shalt  }
0x6b: {  	_ =	shalt  }
0x6c: {  	_ =	shalt  }
0x6d: {  	_ =	shalt  }
0x6e: {  	_ =	shalt  }
0x6f: {  	_ =	shalt  }
0x70: {  	_ =	shalt  }
0x71: {  	_ =	shalt  }
0x72: {  	_ =	shalt  }
0x73: {  	_ =	shalt  }
0x74: {  	_ =	shalt  }
0x75: {  	_ =	shalt  }
0x76: {  	_ =	shalt  }
0x77: {  	_ =	shalt  }
0x78: {  	_ =	shalt  }
0x79: {  	_ =	shalt  }
0x7a: {  	_ =	shalt  }
0x7b: {  	_ =	shalt  }
0x7c: {  	_ =	shalt  }
0x7d: {  	_ =	shalt  }
0x7e: {  	_ =	shalt  }
0x7f: {  	_ =	shalt  }
0x80: {  	_ =	shalt  }
0x81: {  	_ =	shalt  }
0x82: {  	_ =	shalt  }
0x83: {  	_ =	shalt  }
0x84: {  	_ =	shalt  }
0x85: {  	_ =	shalt  }
0x86: {  	_ =	shalt  }
0x87: {  	_ =	shalt  }
.Lfunc_end0:
.L_simem_size_0:
called_computation.1_lowered:
.L_overlay_start_0:
0x88: {  	s2 =	sld [smem:$0x3FD9]  }
0x89: {  	s3 =	sld [smem:$0x3FFE];
	_ =	sdelay $0x1  }
0x8a: {  	s1 =	srdreg.scid  }
0x8b: {  	s0 =	sand.u32 $0x1, s1  }
0x8c: {  	s16 =	sshll.u32 s0, $0xA;
	s2 =	sadd.s32 s3, s2  }
0x8d: {  	s2 =	sadd.s32 s2, s16  }
0x8e: {  	[smem:$0x3FC5] =	sst s2  }
0x8f: {  	_ = 	snop  }
0x90: {  	(tm) =	ssettm $0x1  }
0x91: {  	s17 =	sld [smem:$0x3FFB];
	_ =	sdelay $0x3  }
0x92: {  	_ =	strace s17  }
0x93: {  	s2 =	sld [smem:$0x3FFC];
	_ =	sdelay $0x3  }
0x94: {  	_ =	strace s2  }
0x95: {  	s2 =	sld [smem:$0x3FFD];
	_ =	sdelay $0x3  }
0x96: {  	_ =	strace s2  }
0x97: {  	_ =	strace $0x8FFFFFFF  }
0x98: {  	s18 =	sld [smem:$0x3FDB];
	_ =	sdelay $0x1  }
0x99: {  	s19 =	simm.s32 $_scs_section_size  }
0x9a: {  	s4 =	simm.s32 $_size__tile_overlayer_lowered;
	s5 =	simm.s32 $_tile_overlayer_lowered  }
0x9b: {  	s22 =	simm.s32 $0x1BFF;
	s21 =	sshll.u32 s5, $0x1;
	s2 =	sadd.s32 s19, s18  }
0x9c: {  	s6 =	simm.s32 $0x0;
	s20 =	sshll.u32 s4, $0x1;
	s4 =	sadd.s32 s21, s2  }
0x9d: {  	[timem:s6], [sflag:s22] =	dma.local [hbm:s4], s20  }
0x9e: {  	_ =	swait.ge [sflag:s22], s20  }
0x9f: {  	s3 =	ssub.s32 $0x0, s20;
	[sflag:s22] =	ssyncset.done $0x0  }
0xa0: {  	[sflag:s22] =	ssyncadd.s32 s3;
	_ =	sdelay $0x1  }
0xa1: {  	s23 =	simm.s32 $0x1B8B  }
0xa2: {  	_ =	swait.ge [sflag:s23], $0x1  }
0xa3: {  	[sflag:s23] =	ssyncset.done $0x0  }
0xa4: {  	s25 =	simm.s32 $0x1B8E;
	s24 =	sld [smem:$0x3FFE];
	[sflag:s23] =	ssyncadd.s32 $0xFFFFFFFF  }
0xa5: {  	s26 =	simm.s32 $execute0_lowered;
	[smem:$0x3FD2] =	sst s25  }
0xa6: {  	s4 =	sshll.u32 s26, $0x1;
	_ =	strace $0x80000049;
	[dreg:$0x1] =	wrdreg $0xFFFFFFFF  }
0xa7: {  	s28 =	simm.s32 $_size_execute0_lowered;
	s2 =	sadd.s32 s2, s4;
	[dreg:$0x0] =	wrdreg $0x0  }
0xa8: {  	s4 =	sshll.u32 s28, $0x1;
	[dreg:$0x2] =	wrdreg s2  }
0xa9: {  	[dreg:$0x3] =	wrdreg s4  }
0xaa: {  	[dreg:$0x4] =	wrdreg $0xC0  }
0xab: {  	_ =	task [dreg:s6], $0x5FFFF  }
0xac: {  	[dreg:$0x1] =	wrdreg $0xFFFFFFFF  }
0xad: {  	[dreg:$0x0] =	wrdreg $0x60  }
0xae: {  	[dreg:$0x2] =	wrdreg s24  }
0xaf: {  	[dreg:$0x3] =	wrdreg $0x9  }
0xb0: {  	_ =	task.clear_ibuf [dreg:s6], $0x4FFFF;
	_ =	strace $0x90000049  }
0xb1: {  	s29 =	simm.s32 $0x9;
	_ =	strace $0x8000004B  }
0xb2: {  	_ =	swait.ge [sflag:s29], $0x1  }
0xb3: {  	[sflag:s29] =	ssyncadd.s32 $0xFFFFFFFF  }
0xb4: {  	_ =	strace $0x9000004B  }
0xb5: {  	_ =	sfence  }
0xb6: {  	s30 =	sld [smem:$0x0];
	_ =	sdelay $0x2  }
0xb7: {  	s31 =	sshll.u32 s1, $0xD;
	s1 =	sshrl.u32 s1, $0x2  }
0xb8: {  	s3 =	sand.u32 $0x4000, s31;
	s1 =	sadd.s32 s1, s30  }
0xb9: {  	s0 =	sor.u32 s3, s0;
	s1 =	sshll.u32 s1, $0x11  }
0xba: {  	s0 =	sor.u32 s1, s0  }
0xbb: {  	s0 =	sadd.s32 $0x8F2B, s0  }
0xbc: {  	[sflag:s0] =	ssyncadd.remote.s32 $0x1  }
0xbd: {  	_ =	sfence.sel $0xFFFF  }
0xbe: {  	[dreg:$0x0] =	wrdreg $0xFFFFFFFF;
	(pc) =	sbr.abs _section_cstart, $3  }
0xbf: {  	[dreg:$0x1] =	wrdreg $0xFFFFFFFF  }
0xc0: {  	_ =	task.clear_ibuf [dreg:s6], $0x2FFFF;
	_ =	strace $0x9FFFFFFF  }
0xc1: {  	(tm) =	ssettm $0x7FFFFFFF  }
tec
execute0_lowered:
.L_overlay_start_1:
0x0: {  	(tag) =	ssettag $0x1  }
0x1: {  	s0 =	srdreg.scid;
	s5 =	rddreg [dreg:$0x0]  }
0x2: {  	s1 =	stileid.u32;
	s6 =	simm.s32 $0x1;
	s9 =	simm.s32 $0x1  }
0x3: {  	s10 =	simm.s32 $0x3;
	s13 =	simm.s32 $0x0;
	s2 =	sshll.u32 s0, $0x9  }
0x4: {  	s12 =	simm.s32 $0x0;
	s3 =	sshll.u32 s1, $0xA;
	s2 =	sand.u32 $0x200, s2  }
0x5: {  	s0 =	rddreg [dreg:$0x1];
	_ =	strace $0x8000004A;
	s2 =	sor.u32 s3, s2  }
0x6: {  	s4 =	sadd.s32 $0x27A00, s5;
	[sflag:s6] =	ssyncpa.u1 $0x0;
	s8 =	ssub.s32 $0x8000, s2  }
.Ltmp0:
0x7: {  	s3 =	sadd.s32 $0x16E00, s5;
	s7 =	sand.u32 $0x3E00, s8;
	(pc) =	sbr.rel .LBB2_1-.Ltmp0, $4  }
0x8: {  	s5 =	sadd.s32 $0x2BA00, s5;
	s11 =	smov.u32 s2;
	p0 =	sne.s32 s7, $0x0  }
0x9: {  	s8 =	sshrl.u32 s8, $0xE;
	s7 =	simm.s32 $0x2;
	s9 =	simm.s32 @!p0 $0x0  }
0xa: {  	[sflag:s7] =	ssyncpa.u1 $0x0;
	p0 =	por $0x0, $0x0;
	s8 =	sadd.s32 s9, s8  }
0xb: {  	vm0 =	vmmov $0xffff;
	v0 =	vimm.s32 $0x0;
	[sflag:s10] =	ssyncpa.u1 $0x0;
	s10 =	simm.s32 $0x0;
	s9 =	sadd.s32 $0x1, s8  }
.LBB2_4:
0xc: {  	v5 =	vand.u32 $0x3FF, v5;
	v6 =	vsel vm2, $0xFFF9C000, v0;
	v3 =	vshll.u32 v3, $0x7  }
0xd: {  	v60 =	vand.u32 $0x3FF, v1;
	v1 =	vshrl.u32 v1, $0xA;
	v5 =	vsel vm2, $0xFFFFFFFF, v5  }
0xe: {  	v4 =	vadd.s32 v6, v4;
	v3 =	vand.u32 $0x380, v3;
	v59 =	vand.u32 $0x7F, v5  }
0xf: {  	v5 =	vshll.u32 v5, $0x3;
	v3 =	vor.u32 v3, v4;
	v4 =	vsel vm1, $0xFFFFFFFF, v60  }
0x10: {  	v5 =	vand.u32 $0xFFFFFC00, v5;
	v3 =	vor.u32 v59, v3;
	v61 =	vshrl.u32 v4, $0x3  }
0x11: {  	vm1 =	vmmov vm1;
	v3 =	vadd.s32 v5, v3;
	v5 =	vmul.u32 $0x1400, v61  }
0x12: {  	v1 =	vand.u32 $0x3FF, v1;
	v62 =	vsel vm1, $0xFFF9C000, v0;
	v4 =	vshll.u32 v4, $0x7  }
0x13: {  	v1 =	vsel vm1, $0xFFFFFFFF, v1;
	v4 =	vand.u32 $0x380, v4;
	v5 =	vadd.s32 v62, v5  }
0x14: {  	v63 =	vand.u32 $0x7F, v1;
	v1 =	vshll.u32 v1, $0x3;
	v4 =	vor.u32 v4, v5  }
0x15: {  	v1 =	vand.u32 $0xFFFFFC00, v1;
	v4 =	vor.u32 v63, v4  }
0x16: {  	(ifvalue) =	ssetifvalue $0x7FFFFFFF;
	s15 =	sadd.s32 $0x10, s15;
	v1 =	vadd.s32 v1, v4  }
0x17: {  	[tilespmem:s15], [sflag:$0x1] =	stream.indirect_vreg.gather [hbm4b:s3+s10], $0x1, v2, vm0, $0x4038;
	[tilespmem:$0x800] =	vst v63  }
0x18: {  	(ifvalue) =	ssetifvalue $0x7FFFFFFF;
	s15 =	sadd.s32 $0x10, s15  }
0x19: {  	[tilespmem:s15], [sflag:$0x1] =	stream.indirect_vreg.gather [hbm4b:s3+s10], $0x1, v3, vm0, $0x4038;
	[tilespmem:$0x800] =	vst v63  }
0x1a: {  	(ifvalue) =	ssetifvalue $0x7FFFFFFF;
	s15 =	sadd.s32 $0x10, s15  }
0x1b: {  	[tilespmem:s15], [sflag:$0x1] =	stream.indirect_vreg.gather [hbm4b:s3+s10], $0x1, v1, vm0, $0x4038;
	[tilespmem:$0x800] =	vst v63  }
0x1c: {  	_ =	swait.ge [sflag:s6], $0x200  }
0x1d: {  	s30 =	sshrl.u32 s13, $0x3;
	[sflag:s6] =	ssyncset.done $0x0  }
0x1e: {  	s31 =	sand.u32 $0x7, s13;
	s15 =	sadd.s32 s5, s30;
	[sflag:s6] =	ssyncadd.s32 $0xFFFFFE00  }
0x1f: {  	[hbm4b:s15+s31] =	stream.linear.scatter [tilespmem:s14], [sflag:$0x3], $0x200, $0x38;
	[tilespmem:$0x800] =	vst v63  }
.LBB2_5:
0x20: {  	s15 =	sadd.s32 $0x4000, s11  }
0x21: {  	p2 =	sgt.s32 s15, $0x7FFF  }
0x22: {  	s15 =	smov.u32 @p2 s2;
	p2 =	sne.s32 s12, s9  }
.Ltmp1:
0x23: {  	p1 =	slt.u32 s12, $0x2;
	(pc) =	sbr.rel @!p2 .LBB2_6-.Ltmp1, $4  }
0x24: {  	s14 =	simm.s32 @!p1 $0x3  }
0x25: {  	s16 =	sadd.s32 $0x1, s12;
	_ =	swait.ge @!p1 [sflag:s14], $0x200  }
0x26: {  	s13 =	smov.u32 s11;
	p0 =	por !p0, !p0;
	[sflag:s14] =	ssyncset.done @!p1 $0x0  }
0x27: {  	s12 =	smov.u32 s16;
	s11 =	smov.u32 s15;
	[sflag:s14] =	ssyncadd.s32 @!p1 $0xFFFFFE00  }
.LBB2_1:
0x28: {  	p1 =	sge.u32 s12, s8  }
0x29: {  	s14 =	sxor.u32 @!p1 $0xFFFFFFFF, s12  }
0x2a: {  	s31 =	sadd.s32 $0xFFFFFFFF, s12;
	s15 =	sshrl.u32 @!p1 s11, $0x3;
	s14 =	sshll.u32 @!p1 s14, $0x9  }
0x2b: {  	s16 =	sand.u32 @!p1 $0x7, s11;
	s15 =	sadd.s32 @!p1 s4, s15;
	s14 =	sand.u32 @!p1 $0x200, s14  }
0x2c: {  	[tilespmem:s14], [sflag:$0x2] =	stream.linear.gather @!p1 [hbm4b:s15+s16], $0x200, $0x38;
	[tilespmem:$0x800] =	vst v63  }
0x2d: {  	p1 =	sge.u32 s31, s8  }
.Ltmp2:
0x2e: {  	_ = 	snop;
	(pc) =	sbr.rel @p1 .LBB2_5-.Ltmp2, $1  }
0x2f: {  	_ =	sdelay $0x3  }
0x30: {  	s14 =	simm.s32 $0x1  }
0x31: {  	_ =	swait.ge [sflag:s7], $0x200;
	s14 =	simm.s32 @!p0 $0x0  }
0x32: {  	[sflag:s7] =	ssyncset.done $0x0;
	s14 =	sshll.u32 s14, $0x9  }
0x33: {  	[sflag:s7] =	ssyncadd.s32 $0xFFFFFE00;
	(ifvalue) =	ssetifvalue $0x7FFFFFFF;
	v1 =	vld.msk [tilespmem:s14+$0x0 ss:$0x1], $0xffff;
	_ =	sdelay $0x1  }
0x34: {  	s15 =	sadd.s32 $0x10, s14  }
0x35: {  	v2 =	vld.msk [tilespmem:s15+$0x0 ss:$0x1], $0xffff;
	_ =	sdelay $0x1  }
0x36: {  	vm1 =	veq.s32 v1, $0x80000000;
	v3 =	vand.u32 $0x3FF, v1  }
0x37: {  	v3 =	vsel vm1, $0xFFFFFFFF, v3  }
0x38: {  	v1 =	vshrl.u32 v1, $0xA;
	vm1 =	vmmov vm1;
	v4 =	vshrl.u32 v3, $0x3  }
0x39: {  	vm2 =	veq.s32 v2, $0x80000000;
	v1 =	vand.u32 $0x3FF, v1;
	v4 =	vmul.u32 $0x1400, v4  }
0x3a: {  	s15 =	sadd.s32 $0x10, s15;
	v5 =	vsel vm1, $0xFFF9C000, v0;
	v3 =	vshll.u32 v3, $0x7;
	v1 =	vsel vm1, $0xFFFFFFFF, v1  }
0x3b: {  	v6 =	vld.msk [tilespmem:s15+$0x0 ss:$0x1], $0xffff;
	v3 =	vand.u32 $0x380, v3;
	v4 =	vadd.s32 v5, v4;
	v5 =	vand.u32 $0x7F, v1  }
0x3c: {  	v1 =	vshll.u32 v1, $0x3;
	v3 =	vor.u32 v3, v4;
	v4 =	vand.u32 $0x3FF, v2  }
0x3d: {  	v1 =	vand.u32 $0xFFFFFC00, v1;
	v3 =	vor.u32 v5, v3;
	v4 =	vsel vm2, $0xFFFFFFFF, v4  }
0x3e: {  	vm1 =	vmmov vm2;
	v3 =	vadd.s32 v1, v3;
	v1 =	vshrl.u32 v4, $0x3  }
0x3f: {  	v7 =	vsel vm1, $0xFFF9C000, v0;
	v2 =	vshrl.u32 v2, $0xA;
	v5 =	vmul.u32 $0x1400, v1  }
0x40: {  	s17 =	sadd.s32 $0x10, s15;
	vm2 =	veq.s32 v6, $0x80000000;
	v2 =	vand.u32 $0x3FF, v2;
	v4 =	vshll.u32 v4, $0x7  }
0x41: {  	v2 =	vsel vm1, $0xFFFFFFFF, v2;
	v1 =	vld.msk [tilespmem:s17+$0x0 ss:$0x1], $0xffff;
	v4 =	vand.u32 $0x380, v4;
	v5 =	vadd.s32 v7, v5  }
0x42: {  	v7 =	vand.u32 $0x7F, v2;
	v2 =	vshll.u32 v2, $0x3;
	v4 =	vor.u32 v4, v5  }
0x43: {  	s31 =	sshll.u32 s12, $0x9;
	s15 =	sor.u32 $0x400, s14;
	(ifvalue) =	ssetifvalue $0x7FFFFFFF;
	v5 =	vand.u32 $0x3FF, v6;
	v2 =	vand.u32 $0xFFFFFC00, v2;
	v4 =	vor.u32 v7, v4  }
0x44: {  	[tilespmem:s15], [sflag:$0x1] =	stream.indirect_vreg.gather [hbm4b:s3+s10], $0x1, v3, vm0, $0x4038;
	v3 =	vsel vm2, $0xFFFFFFFF, v5;
	v2 =	vadd.s32 v2, v4;
	[tilespmem:$0x800] =	vst v63  }
0x45: {  	s14 =	sand.u32 $0x200, s31;
	vm2 =	vmmov vm2;
	v4 =	vshrl.u32 v3, $0x3  }
0x46: {  	s16 =	simm.s32 $0x30;
	s14 =	sor.u32 $0x400, s14;
	s17 =	sadd.s32 $0x10, s17;
	v5 =	vshrl.u32 v6, $0xA;
	vm1 =	veq.s32 v1, $0x80000000;
	v4 =	vmul.u32 $0x1400, v4  }
.LBB2_3:
0x47: {  	v6 =	vld.msk [tilespmem:s17+$0x0 ss:$0x1], $0xffff;
	v5 =	vand.u32 $0x3FF, v5;
	v7 =	vsel vm2, $0xFFF9C000, v0;
	v3 =	vshll.u32 v3, $0x7;
	s16 =	sadd.s32 $0x10, s16  }
0x48: {  	s15 =	sadd.s32 $0x10, s15;
	v5 =	vsel vm2, $0xFFFFFFFF, v5;
	v4 =	vadd.s32 v7, v4;
	v3 =	vand.u32 $0x380, v3;
	(ifvalue) =	ssetifvalue $0x7FFFFFFF;
	p1 =	slt.u32 s16, $0x1F0  }
0x49: {  	[tilespmem:s15], [sflag:$0x1] =	stream.indirect_vreg.gather [hbm4b:s3+s10], $0x1, v2, vm0, $0x4038;
	[tilespmem:$0x800] =	vst v63  }
.Ltmp3:
0x4a: {  	v7 =	vand.u32 $0x7F, v5;
	v5 =	vshll.u32 v5, $0x3;
	v3 =	vor.u32 v3, v4;
	(pc) =	sbr.rel @p1 .LBB2_3-.Ltmp3, $4  }
0x4b: {  	v2 =	vand.u32 $0x3FF, v1;
	v4 =	vand.u32 $0xFFFFFC00, v5;
	v5 =	vor.u32 v7, v3  }
0x4c: {  	vm2 =	vmmov vm1;
	v3 =	vsel vm1, $0xFFFFFFFF, v2;
	v2 =	vadd.s32 v4, v5  }
0x4d: {  	v4 =	vshrl.u32 v3, $0x3  }
0x4e: {  	s17 =	sadd.s32 $0x10, s17;
	v5 =	vshrl.u32 v1, $0xA;
	vm1 =	veq.s32 v6, $0x80000000;
	v4 =	vmul.u32 $0x1400, v4;
	v1 =	vmovc v6  }
.Ltmp4:
0x4f: {  	_ = 	snop;
	(pc) =	sbr.rel .LBB2_4-.Ltmp4, $1  }
0x50: {  	_ =	sdelay $0x3  }
.LBB2_6:
0x51: {  	_ =	sfence.sel $0x180000  }
0x52: {  	s2 =	simm.s32 $0x2;
	[bflag:$0x0] =	sbarrier.arrive $0xFFFF  }
0x53: {  	s30 =	simm.s32 $0x3;
	[sflag:s2] =	ssyncpa.u1 $0x1  }
0x54: {  	s31 =	simm.s32 $0x1;
	[sflag:s30] =	ssyncpa.u1 $0x1  }
0x55: {  	[sflag:s31] =	ssyncpa.u1 $0x1  }
0x56: {  	p0 =	sne.s32 s1, $0x0;
	_ =	strace $0x9000004A  }
0x57: {  	s0 =	sadd.s32 @!p0 $0x100000, s0;
	[bflag:$0x2] =	sbarrier.arrive $0xFFFF  }
0x58: {  	[sflag:s0] =	ssyncadd.tile.s32 @!p0 $0x1;
	_ =	shalt  }
.Lfunc_end2:
_tile_overlayer_lowered:
.L_overlay_start_2:
0x59: {  	(tag) =	ssettag $0x2  }
0x5a: {  	s0 =	rddreg [dreg:$0x0];
	s2 =	stileid.u32  }
0x5b: {  	s1 =	rddreg [dreg:$0x1];
	p0 =	sne.s32 s2, $0x0  }
0x5c: {  	s3 =	rddreg [dreg:$0x2];
	[bflag:$0x3] =	sbarrier.arrive $0xFFFF;
	s2 =	simm.s32 @!p0 $0x1C01  }
0x5d: {  	[timem:s3], [sflag:s2] =	dma.local @!p0 [hbm:s0], s1  }
0x5e: {  	s0 =	simm.s32 @!p0 $0x1  }
0x5f: {  	_ =	swait.ge @!p0 [sflag:s0], s1  }
0x60: {  	s1 =	ssub.s32 @!p0 $0x0, s1;
	[sflag:s0] =	ssyncset.done @!p0 $0x0  }
0x61: {  	[sflag:s0] =	ssyncadd.s32 @!p0 s1  }
0x62: {  	[bflag:$0x3] =	sbarrier.arrive $0xFFFF  }
0x63: {  	_ =	shalt  }

// kernel: scatter_offload_async_start
scs
__scs_entry_jumppad:
0x0: {  	(pc) =	sbr.rel $0x88, $3  }
0x1: {  	(tag) =	ssettag $0x0;
	lr =	simm.s32 $0x1  }
0x2: {  	[smem:$0x3F9E] =	sst lr;
	_ =	strace $0xD0000000  }
0x3: {  	_ = 	snop  }
0x4: {  	_ = 	snop  }
0x5: {  	_ = 	snop  }
0x6: {  	_ = 	snop  }
0x7: {  	_ = 	snop  }
__scs_overlays_trampoline_lowered:
0x8: {  	[smem:$0x3FAD] =	sst s0  }
0x9: {  	[smem:$0x3FAE] =	sst s1  }
0xa: {  	[smem:$0x3FAF] =	sst s2  }
0xb: {  	[smem:$0x3FB0] =	sst s3  }
0xc: {  	[smem:$0x3FB1] =	sst s4  }
0xd: {  	[smem:$0x3FB2] =	sst s5  }
0xe: {  	[smem:$0x3FB3] =	sst s6  }
0xf: {  	[smem:$0x3FB4] =	sst s7  }
0x10: {  	[smem:$0x3FB5] =	sst s8  }
0x11: {  	[smem:$0x3FB6] =	sst s9;
	s0 =	simm.s32 @!p0 $0x0  }
0x12: {  	s1 =	sld [smem:$0x3F9C];
	s0 =	simm.s32 @p0 $0x1  }
0x13: {  	[smem:$0x3FB7] =	sst s0;
	s0 =	simm.s32 @!p1 $0x0  }
0x14: {  	s2 =	sld [smem:$0x3F9B];
	s0 =	simm.s32 @p1 $0x1  }
0x15: {  	[smem:$0x3FB8] =	sst s0;
	s0 =	simm.s32 @!p2 $0x0  }
0x16: {  	s3 =	sld [smem:$0x3FDB];
	s0 =	simm.s32 @p2 $0x1  }
0x17: {  	s4 =	simm.s32 $0x1BF5;
	[smem:$0x3FBA] =	sst s0  }
0x18: {  	s0 =	sld [smem:$0x3F9D];
	_ =	swait.ge [sflag:s4], $0x0  }
0x19: {  	s7 =	sld [smem:$0x3F9E]  }
0x1a: {  	s8 =	sadd.s32 $0xFFFFE003, lr  }
0x1b: {  	s9 =	sadd.s32 $0xFFFFFEF7, lr;
	s5 =	simm.s32 $0xFFFFFFFF;
	p2 =	slt.u32 s8, $0xFFFFF086  }
0x1c: {  	p1 =	slt.u32 s9, $0xF7A;
	s5 =	simm.s32 @!p2 $0x0  }
0x1d: {  	s5 =	simm.s32 @p1 $0x1;
	p0 =	seq.s32 s7, s2  }
0x1e: {  	s7 =	smul.u32 @!p0 $0xF7A, s2;
	p2 =	seq.s32 @!p0 s5, $0x0  }
0x1f: {  	s9 =	smul.u32 $0xF7A, s1;
	s8 =	simm.s32 @!p0 $0x1BF5;
	p2 =	por !p2, p0  }
0x20: {  	[sflag:s8] =	ssyncset.s32 @!p0 $0xFFFFF086;
	s6 =	sadd.s32 @!p0 s3, s7;
	s7 =	simm.s32 @!p0 $0x108  }
0x21: {  	s3 =	sadd.s32 s3, s9;
	s6 =	sadd.s32 @!p0 $0x88, s6;
	s7 =	simm.s32 @p2 $0x1082  }
0x22: {  	[simem:s7], [sflag:s8] =	dma.local @!p0 [hbm:s6], $0xF7A  }
0x23: {  	s9 =	sor.u32 $0xD0000000, s2;
	s6 =	simm.s32 $0x108;
	_ =	swait.ge @!p0 [sflag:s8], $0x0  }
0x24: {  	s3 =	sadd.s32 $0x88, s3;
	s6 =	simm.s32 @!p1 $0x1082;
	[sflag:s4] =	ssyncset.s32 $0xFFFFF086  }
0x25: {  	[simem:s6], [sflag:s4] =	dma.local [hbm:s3], $0xF7A  }
0x26: {  	[smem:$0x3F9E] =	sst s1;
	(tag) =	ssettag s2;
	_ =	strace s9  }
0x27: {  	s1 =	sld [smem:$0x3FAE]  }
0x28: {  	s2 =	sld [smem:$0x3FAF]  }
0x29: {  	s4 =	sld [smem:$0x3FB1]  }
0x2a: {  	p0 =	seq.s32 s5, $0x0;
	s5 =	sld [smem:$0x3FB2]  }
0x2b: {  	s6 =	sld [smem:$0x3FB3]  }
0x2c: {  	s7 =	sld [smem:$0x3FB4]  }
0x2d: {  	s3 =	simm.s32 $0x108;
	s8 =	sld [smem:$0x3FB5]  }
0x2e: {  	s3 =	simm.s32 @!p0 $0x1082;
	s9 =	sld [smem:$0x3FB6]  }
0x2f: {  	lr =	sadd.s32 s0, s3;
	s0 =	sld [smem:$0x3FAD]  }
0x30: {  	s3 =	sld [smem:$0x3FB0]  }
0x31: {  	[smem:$0x3FB9] =	sst s10  }
0x32: {  	s10 =	sld [smem:$0x3FB7];
	_ =	sdelay $0x3  }
0x33: {  	p0 =	seq.s32 s10, $0x1;
	s10 =	sld [smem:$0x3FB9];
	_ =	sdelay $0x3  }
0x34: {  	[smem:$0x3FB9] =	sst s10  }
0x35: {  	s10 =	sld [smem:$0x3FB8];
	_ =	sdelay $0x3  }
0x36: {  	p1 =	seq.s32 s10, $0x1;
	s10 =	sld [smem:$0x3FB9];
	_ =	sdelay $0x3  }
0x37: {  	[smem:$0x3FB9] =	sst s10  }
0x38: {  	s10 =	sld [smem:$0x3FBA]  }
0x39: {  	_ = 	snop;
	(pc) =	sbr.ind lr, $3  }
0x3a: {  	_ = 	snop  }
0x3b: {  	_ = 	snop  }
0x3c: {  	p2 =	seq.s32 s10, $0x1;
	s10 =	sld [smem:$0x3FB9]  }
0x3d: {  	_ =	shalt  }
0x3e: {  	_ =	shalt  }
0x3f: {  	_ =	shalt  }
0x40: {  	_ =	shalt  }
0x41: {  	_ =	shalt  }
0x42: {  	_ =	shalt  }
0x43: {  	_ =	shalt  }
0x44: {  	_ =	shalt  }
0x45: {  	_ =	shalt  }
0x46: {  	_ =	shalt  }
0x47: {  	_ =	shalt  }
0x48: {  	_ =	shalt  }
0x49: {  	_ =	shalt  }
0x4a: {  	_ =	shalt  }
0x4b: {  	_ =	shalt  }
0x4c: {  	_ =	shalt  }
0x4d: {  	_ =	shalt  }
0x4e: {  	_ =	shalt  }
0x4f: {  	_ =	shalt  }
0x50: {  	_ =	shalt  }
0x51: {  	_ =	shalt  }
0x52: {  	_ =	shalt  }
0x53: {  	_ =	shalt  }
0x54: {  	_ =	shalt  }
0x55: {  	_ =	shalt  }
0x56: {  	_ =	shalt  }
0x57: {  	_ =	shalt  }
0x58: {  	_ =	shalt  }
0x59: {  	_ =	shalt  }
0x5a: {  	_ =	shalt  }
0x5b: {  	_ =	shalt  }
0x5c: {  	_ =	shalt  }
0x5d: {  	_ =	shalt  }
0x5e: {  	_ =	shalt  }
0x5f: {  	_ =	shalt  }
0x60: {  	_ =	shalt  }
0x61: {  	_ =	shalt  }
0x62: {  	_ =	shalt  }
0x63: {  	_ =	shalt  }
0x64: {  	_ =	shalt  }
0x65: {  	_ =	shalt  }
0x66: {  	_ =	shalt  }
0x67: {  	_ =	shalt  }
0x68: {  	_ =	shalt  }
0x69: {  	_ =	shalt  }
0x6a: {  	_ =	shalt  }
0x6b: {  	_ =	shalt  }
0x6c: {  	_ =	shalt  }
0x6d: {  	_ =	shalt  }
0x6e: {  	_ =	shalt  }
0x6f: {  	_ =	shalt  }
0x70: {  	_ =	shalt  }
0x71: {  	_ =	shalt  }
0x72: {  	_ =	shalt  }
0x73: {  	_ =	shalt  }
0x74: {  	_ =	shalt  }
0x75: {  	_ =	shalt  }
0x76: {  	_ =	shalt  }
0x77: {  	_ =	shalt  }
0x78: {  	_ =	shalt  }
0x79: {  	_ =	shalt  }
0x7a: {  	_ =	shalt  }
0x7b: {  	_ =	shalt  }
0x7c: {  	_ =	shalt  }
0x7d: {  	_ =	shalt  }
0x7e: {  	_ =	shalt  }
0x7f: {  	_ =	shalt  }
0x80: {  	_ =	shalt  }
0x81: {  	_ =	shalt  }
0x82: {  	_ =	shalt  }
0x83: {  	_ =	shalt  }
0x84: {  	_ =	shalt  }
0x85: {  	_ =	shalt  }
0x86: {  	_ =	shalt  }
0x87: {  	_ =	shalt  }
.Lfunc_end0:
.L_simem_size_0:
called_computation_lowered:
.L_overlay_start_0:
0x88: {  	s0 =	sld [smem:$0x3FD9]  }
0x89: {  	s1 =	sld [smem:$0x3FFE];
	_ =	sdelay $0x3  }
0x8a: {  	s0 =	sadd.s32 s1, s0  }
0x8b: {  	[smem:$0x3FC5] =	sst s0  }
0x8c: {  	_ = 	snop  }
0x8d: {  	s0 =	sld [smem:$0x3FD0];
	(tm) =	ssettm $0x1  }
0x8e: {  	s16 =	sld [smem:$0x3FFB];
	_ =	sdelay $0x3  }
0x8f: {  	_ =	strace s16  }
0x90: {  	s1 =	sld [smem:$0x3FFC];
	_ =	sdelay $0x3  }
0x91: {  	_ =	strace s1  }
0x92: {  	s1 =	sld [smem:$0x3FFD];
	_ =	sdelay $0x3  }
0x93: {  	_ =	strace s1  }
0x94: {  	_ =	strace $0x8FFFFFFF  }
0x95: {  	s17 =	sld [smem:$0x3FDB];
	_ =	sdelay $0x1  }
0x96: {  	s2 =	simm.s32 $_scs_section_size  }
0x97: {  	s3 =	simm.s32 $_size__tile_overlayer_lowered;
	s4 =	simm.s32 $_tile_overlayer_lowered  }
0x98: {  	s20 =	simm.s32 $0x1BFF;
	s19 =	sshll.u32 s4, $0x1;
	s1 =	sadd.s32 s2, s17  }
0x99: {  	s5 =	simm.s32 $0x0;
	s18 =	sshll.u32 s3, $0x1;
	s3 =	sadd.s32 s19, s1  }
0x9a: {  	[timem:s5], [sflag:s20] =	dma.local [hbm:s3], s18  }
0x9b: {  	_ =	swait.ge [sflag:s20], s18  }
0x9c: {  	s2 =	ssub.s32 $0x0, s18;
	[sflag:s20] =	ssyncset.done $0x0  }
0x9d: {  	[sflag:s20] =	ssyncadd.s32 s2;
	_ =	sdelay $0x1  }
0x9e: {  	s21 =	simm.s32 $0x1B8B  }
0x9f: {  	_ =	swait.ge [sflag:s21], $0x1  }
0xa0: {  	[sflag:s21] =	ssyncset.done $0x0  }
0xa1: {  	s23 =	simm.s32 $0x1B8E;
	s22 =	sld [smem:$0x3FFE];
	[sflag:s21] =	ssyncadd.s32 $0xFFFFFFFF  }
0xa2: {  	s24 =	simm.s32 $execute0_lowered;
	[smem:$0x3FD2] =	sst s23  }
0xa3: {  	s3 =	sshll.u32 s24, $0x1;
	_ =	strace $0x80000046;
	[dreg:$0x1] =	wrdreg $0xFFFFFFFF  }
0xa4: {  	s25 =	simm.s32 $_size_execute0_lowered;
	s1 =	sadd.s32 s1, s3;
	[dreg:$0x0] =	wrdreg $0x0  }
0xa5: {  	s3 =	sshll.u32 s25, $0x1;
	[dreg:$0x2] =	wrdreg s1  }
0xa6: {  	[dreg:$0x3] =	wrdreg s3  }
0xa7: {  	[dreg:$0x4] =	wrdreg $0xC0  }
0xa8: {  	_ =	task [dreg:s5], $0x5FFFF  }
0xa9: {  	[dreg:$0x1] =	wrdreg $0xFFFFFFFF  }
0xaa: {  	[dreg:$0x0] =	wrdreg $0x60  }
0xab: {  	[dreg:$0x2] =	wrdreg s0  }
0xac: {  	[dreg:$0x3] =	wrdreg s22  }
0xad: {  	[dreg:$0x4] =	wrdreg $0x9  }
0xae: {  	_ =	task.clear_ibuf [dreg:s5], $0x5FFFF;
	_ =	strace $0x90000046  }
0xaf: {  	s26 =	simm.s32 $0x9;
	_ =	strace $0x80000048  }
0xb0: {  	_ =	swait.ge [sflag:s26], $0x1  }
0xb1: {  	[sflag:s26] =	ssyncadd.s32 $0xFFFFFFFF  }
0xb2: {  	_ =	strace $0x90000048  }
0xb3: {  	_ =	sfence  }
0xb4: {  	s28 =	sld [smem:$0x0];
	_ =	sdelay $0x1  }
0xb5: {  	s29 =	srdreg.scid  }
0xb6: {  	s30 =	sshll.u32 s29, $0xD;
	s31 =	sshrl.u32 s29, $0x2  }
0xb7: {  	s2 =	sand.u32 $0x4000, s30;
	s1 =	sand.u32 $0x1, s29;
	s0 =	sadd.s32 s31, s28  }
0xb8: {  	s1 =	sor.u32 s2, s1;
	s0 =	sshll.u32 s0, $0x11  }
0xb9: {  	s0 =	sor.u32 s0, s1  }
0xba: {  	s0 =	sadd.s32 $0x8F2B, s0  }
0xbb: {  	[sflag:s0] =	ssyncadd.remote.s32 $0x1  }
0xbc: {  	_ =	sfence.sel $0xFFFF  }
0xbd: {  	[dreg:$0x0] =	wrdreg $0xFFFFFFFF;
	(pc) =	sbr.abs _section_cstart, $3  }
0xbe: {  	[dreg:$0x1] =	wrdreg $0xFFFFFFFF  }
0xbf: {  	_ =	task.clear_ibuf [dreg:s5], $0x2FFFF;
	_ =	strace $0x9FFFFFFF  }
0xc0: {  	(tm) =	ssettm $0x7FFFFFFF  }
0xc1: {  	_ =	shalt  }
tec
execute0_lowered:
.L_overlay_start_1:
0x0: {  	(tag) =	ssettag $0x1  }
0x1: {  	s1 =	rddreg [dreg:$0x0]  }
0x2: {  	s7 =	rddreg [dreg:$0x1]  }
0x3: {  	s0 =	rddreg [dreg:$0x2];
	s2 =	stileid.u32;
	_ =	strace $0x80000047  }
0x4: {  	s4 =	simm.s32 $0x3E;
	s9 =	simm.s32 $0x0;
	s11 =	simm.s32 $0x0  }
0x5: {  	p0 =	sne.s32 s2, $0x0;
	[sflag:s4] =	ssyncpa.u1 $0x0;
	s30 =	smul.u32 $0x3, s2  }
0x6: {  	s6 =	smin.u32 s2, $0x2;
	s3 =	simm.s32 @!p0 $0x1C3E;
	s5 =	simm.s32 @!p0 $0x0  }
0x7: {  	[spmem:s5], [sflag:s3] =	dma.local @!p0 [hbm:s1], $0x1000  }
0x8: {  	p1 =	slt.u32 s2, $0x2;
	s3 =	simm.s32 @!p0 $0x3E;
	s5 =	sadd.s32 s6, s30  }
0x9: {  	s6 =	simm.s32 $0x8000;
	_ =	swait.ge @!p0 [sflag:s3], $0x1000;
	s2 =	sshll.u32 s5, $0xD  }
0xa: {  	s6 =	simm.s32 @!p1 $0x6000;
	s5 =	sadd.s32 $0x23600, s7;
	s7 =	sadd.s32 $0x64600, s7  }
0xb: {  	[sflag:s3] =	ssyncset.done @!p0 $0x0;
	s31 =	sadd.s32 s6, s2;
	s6 =	simm.s32 $0x2  }
.Ltmp0:
0xc: {  	[sflag:s3] =	ssyncadd.s32 @!p0 $0xFFFFF000;
	s3 =	smin.u32 s31, $0x64000;
	(pc) =	sbr.rel .LBB2_1-.Ltmp0, $4  }
0xd: {  	s10 =	smov.u32 s2;
	[bflag:$0x0] =	sbarrier.arrive $0xFFFF;
	s8 =	ssub.s32 s3, s2  }
0xe: {  	[sflag:s4] =	ssyncpa.u1 $0x1;
	s4 =	simm.s32 $0x1;
	p1 =	sgt.s32 s8, $0x0  }
0xf: {  	[sflag:s4] =	ssyncpa.u1 $0x0;
	(ifvalue) =	ssetifvalue $0x8000;
	s8 =	simm.s32 @!p1 $0x0  }
0x10: {  	vm0 =	vmmov $0xffff;
	[sflag:s6] =	ssyncpa.u1 $0x0;
	p1 =	por $0x0, $0x0;
	s8 =	sshrl.u32 s8, $0xD  }
.LBB2_5:
0x11: {  	p3 =	sne.s32 s11, s8  }
.Ltmp1:
0x12: {  	_ = 	snop;
	(pc) =	sbr.rel @!p3 .LBB2_6-.Ltmp1, $4  }
0x13: {  	_ = 	snop  }
0x14: {  	s12 =	sadd.s32 $0x2000, s10  }
0x15: {  	s10 =	smov.u32 s2;
	s13 =	sadd.s32 $0x1, s11;
	p2 =	slt.s32 s12, s3  }
0x16: {  	p1 =	por !p1, !p1;
	s11 =	smov.u32 s13;
	s10 =	smov.u32 @p2 s12  }
.LBB2_1:
0x17: {  	p2 =	sge.u32 s11, s8  }
0x18: {  	s12 =	sxor.u32 @!p2 $0xFFFFFFFF, s11  }
0x19: {  	s12 =	sshll.u32 @!p2 s12, $0xD  }
0x1a: {  	s13 =	sshrl.u32 @!p2 s10, $0x3;
	s12 =	sand.u32 @!p2 $0x2000, s12  }
0x1b: {  	s16 =	sand.u32 @!p2 $0x7, s10;
	s14 =	sadd.s32 @!p2 s5, s13;
	s15 =	sor.u32 @!p2 $0x800, s12  }
0x1c: {  	[tilespmem:s15], [sflag:$0x2] =	stream.linear.gather @!p2 [hbm4b:s14+s16], $0x2000, $0x38;
	[tilespmem:$0x8800] =	vst v63  }
0x1d: {  	s13 =	sadd.s32 @!p2 s7, s13;
	s12 =	sor.u32 @!p2 $0x4800, s12  }
0x1e: {  	[tilespmem:s12], [sflag:$0x2] =	stream.linear.gather @!p2 [hbm4b:s13+s16], $0x2000, $0x38;
	[tilespmem:$0x8800] =	vst v63  }
0x1f: {  	p2 =	seq.s32 s11, $0x0  }
.Ltmp2:
0x20: {  	_ = 	snop;
	(pc) =	sbr.rel @p2 .LBB2_5-.Ltmp2, $1  }
0x21: {  	_ =	sdelay $0x3  }
0x22: {  	s12 =	simm.s32 $0x1  }
0x23: {  	_ =	swait.ge [sflag:s6], $0x4000;
	s12 =	simm.s32 @!p1 $0x0  }
0x24: {  	[sflag:s6] =	ssyncset.done $0x0;
	s12 =	sshll.u32 s12, $0xD  }
0x25: {  	[sflag:s6] =	ssyncadd.s32 $0xFFFFC000;
	s14 =	sor.u32 $0x800, s12  }
0x26: {  	v0 =	vld.msk [tilespmem:s14+$0x0 ss:$0x1], $0xffff;
	_ =	sdelay $0x4  }
0x27: {  	v0 =	vmin.u32 v0, $0x8000;
	_ =	sdelay $0x3  }
0x28: {  	s13 =	simm.s32 $0x0;
	s12 =	sor.u32 $0x4800, s12;
	s14 =	sadd.s32 $0x10, s14  }
0x29: {  	[spmem:s9] =	stream.indirect_vreg.scatter.add.s32 [tilespmem:s12], [sflag:$0x1], $0x1, v0, vm0, $0x4038;
	[tilespmem:$0x8800] =	vst v63  }
.LBB2_3:
0x2a: {  	v0 =	vld.msk [tilespmem:s14+$0x0 ss:$0x1], $0xffff;
	s13 =	sadd.s32 $0x10, s13  }
0x2b: {  	p2 =	slt.u32 s13, $0x1FF0;
	_ =	sdelay $0x4  }
0x2c: {  	v0 =	vmin.u32 v0, $0x8000  }
.Ltmp3:
0x2d: {  	(pc) =	sbr.rel @p2 .LBB2_3-.Ltmp3, $3  }
0x2e: {  	_ =	sdelay $0x1  }
0x2f: {  	s14 =	sadd.s32 $0x10, s14;
	s12 =	sadd.s32 $0x10, s12  }
0x30: {  	[spmem:s9] =	stream.indirect_vreg.scatter.add.s32 [tilespmem:s12], [sflag:$0x1], $0x1, v0, vm0, $0x4038;
	[tilespmem:$0x8800] =	vst v63  }
.Ltmp4:
0x31: {  	(pc) =	sbr.rel .LBB2_5-.Ltmp4, $4  }
0x32: {  	_ = 	snop  }
0x33: {  	_ =	swait.ge [sflag:s4], $0x2000  }
0x34: {  	[sflag:s4] =	ssyncset.done $0x0  }
0x35: {  	[sflag:s4] =	ssyncadd.s32 $0xFFFFE000  }
.LBB2_6:
0x36: {  	_ =	sfence.sel $0x180000  }
0x37: {  	s2 =	simm.s32 $0x2;
	[bflag:$0x0] =	sbarrier.arrive $0xFFFF  }
0x38: {  	s30 =	simm.s32 $0x1;
	[sflag:s2] =	ssyncpa.u1 $0x1  }
0x39: {  	[sflag:s30] =	ssyncpa.u1 $0x1  }
0x3a: {  	_ =	sfence.stream.spmem  }
0x3b: {  	s31 =	simm.s32 $0x3D;
	[bflag:$0x0] =	sbarrier.arrive $0xFFFF  }
0x3c: {  	s2 =	simm.s32 @p0 $0x3D;
	[sflag:s31] =	ssyncpa.u1 $0x0  }
0x3d: {  	[sflag:s2] =	ssyncpa.u1 @p0 $0x1  }
0x3e: {  	[bflag:$0x0] =	sbarrier.arrive @p0 $0xFFFF  }
0x3f: {  	_ =	strace @p0 $0x90000047  }
0x40: {  	s3 =	simm.s32 @!p0 $0x1C3D;
	s2 =	simm.s32 @!p0 $0x0;
	[bflag:$0x2] =	sbarrier.arrive @p0 $0xFFFF  }
0x41: {  	[hbm:s1], [sflag:s3] =	dma.local @!p0 [spmem:s2], $0x1000  }
0x42: {  	s1 =	simm.s32 @!p0 $0x3D  }
0x43: {  	_ =	swait.ge @!p0 [sflag:s1], $0x1000  }
0x44: {  	[sflag:s1] =	ssyncset.done @!p0 $0x0  }
0x45: {  	[sflag:s1] =	ssyncadd.s32 @!p0 $0xFFFFF000  }
0x46: {  	[sflag:s1] =	ssyncpa.u1 @!p0 $0x1  }
0x47: {  	[bflag:$0x0] =	sbarrier.arrive @!p0 $0xFFFF  }
0x48: {  	_ =	strace @!p0 $0x90000047  }
0x49: {  	s0 =	sadd.s32 @!p0 $0x100000, s0;
	[bflag:$0x2] =	sbarrier.arrive @!p0 $0xFFFF  }
0x4a: {  	[sflag:s0] =	ssyncadd.tile.s32 @!p0 $0x1;
	_ =	shalt  }
.Lfunc_end2:
_tile_overlayer_lowered:
.L_overlay_start_2:
0x4b: {  	(tag) =	ssettag $0x2  }
0x4c: {  	s0 =	rddreg [dreg:$0x0];
	s2 =	stileid.u32  }
0x4d: {  	s1 =	rddreg [dreg:$0x1];
	p0 =	sne.s32 s2, $0x0  }
0x4e: {  	s3 =	rddreg [dreg:$0x2];
	[bflag:$0x3] =	sbarrier.arrive $0xFFFF;
	s2 =	simm.s32 @!p0 $0x1C01  }
0x4f: {  	[timem:s3], [sflag:s2] =	dma.local @!p0 [hbm:s0], s1  }
0x50: {  	s0 =	simm.s32 @!p0 $0x1  }
0x51: {  	_ =	swait.ge @!p0 [sflag:s0], s1  }
0x52: {  	s1 =	ssub.s32 @!p0 $0x0, s1;
	[sflag:s0] =	ssyncset.done @!p0 $0x0  }
0x53: {  	[sflag:s0] =	ssyncadd.s32 @!p0 s1  }
0x54: {  	[bflag:$0x3] =	sbarrier.arrive $0xFFFF  }
0x55: {  	_ =	shalt  }

</sc_bundles>
